<compile_context>
chip_gen: v7x
topology: tpu7x:2x2x1
jax: 0.10.2.dev20260603
libtpu: 0.0.44.dev20260713+nightly
codegen_flags: <defaults>
</compile_context>

<pallas_src>
import functools

import jax
import jax.numpy as jnp
from jax import lax
from jax.experimental import pallas as pl
from jax.experimental.pallas import tpu as pltpu
from jax.experimental.pallas import tpu_sc as plsc

N_DICT = 1000000
EMB = 64
BATCH = 16384


BLK = 32768
GRID = -(-N_DICT // BLK)


def _matvec_body(t_ref, w_ref, z0_ref, z1_ref):
    p = jnp.dot(w_ref[...], t_ref[...], preferred_element_type=jnp.float32)
    z0_ref[...] = p[0]
    z1_ref[...] = p[1]


_matvec = pl.pallas_call(
    _matvec_body,
    grid=(GRID,),
    in_specs=[
        pl.BlockSpec((EMB, BLK), lambda i: (0, i)),
        pl.BlockSpec((8, EMB), lambda i: (0, 0)),
    ],
    out_specs=[
        pl.BlockSpec((BLK,), lambda i: (i,)),
        pl.BlockSpec((BLK,), lambda i: (i,)),
    ],
    out_shape=[
        jax.ShapeDtypeStruct((N_DICT,), jnp.float32),
        jax.ShapeDtypeStruct((N_DICT,), jnp.float32),
    ],
    compiler_params=pltpu.CompilerParams(
        dimension_semantics=("arbitrary",),
    ),
)


NC = 2
NS = 16
NW = NC * NS
BPW = BATCH // NW
NCHUNK = 4
CHUNK = BPW // NCHUNK


def _gather_body(z0_hbm, z1_hbm, x0_hbm, x1_hbm, b_hbm, out_hbm,
                 idx0_v, idx1_v, g0_v, g1_v, b_v, out_v, sem):
    wid = lax.axis_index("s") * NC + lax.axis_index("c")
    base = wid * BPW

    pltpu.sync_copy(x0_hbm.at[pl.ds(base, BPW)], idx0_v)
    pltpu.sync_copy(x1_hbm.at[pl.ds(base, BPW)], idx1_v)
    pltpu.sync_copy(b_hbm, b_v)

    copies = []
    for j in range(NCHUNK):
        sl = pl.ds(j * CHUNK, CHUNK)
        copies.append(pltpu.async_copy(z0_hbm.at[idx0_v.at[sl]], g0_v.at[sl], sem))
        copies.append(pltpu.async_copy(z1_hbm.at[idx1_v.at[sl]], g1_v.at[sl], sem))
    for c in copies:
        c.wait()

    bias = b_v[...]
    for v in range(BPW // 16):
        sl = pl.ds(v * 16, 16)
        acc = g0_v[sl] + g1_v[sl] + bias
        out_v[sl] = 1.0 / (1.0 + jnp.exp(-acc))

    pltpu.sync_copy(out_v, out_hbm.at[pl.ds(base, BPW)])


_gather_call = functools.partial(
    pl.kernel,
    out_type=jax.ShapeDtypeStruct((BATCH,), jnp.float32),
    scratch_types=[
        pltpu.VMEM((BPW,), jnp.int32),
        pltpu.VMEM((BPW,), jnp.int32),
        pltpu.VMEM((BPW,), jnp.float32),
        pltpu.VMEM((BPW,), jnp.float32),
        pltpu.VMEM((16,), jnp.float32),
        pltpu.VMEM((BPW,), jnp.float32),
        pltpu.SemaphoreType.DMA,
    ],
    mesh=plsc.VectorSubcoreMesh(core_axis_name="c", subcore_axis_name="s"),
    compiler_params=pltpu.CompilerParams(
        needs_layout_passes=False, use_tc_tiling_on_sc=False
    ),
)(_gather_body)


def kernel(x, table, W, b):
    w8 = jnp.zeros((8, EMB), jnp.float32)
    w8 = w8.at[0].set(W[:EMB, 0]).at[1].set(W[EMB:, 0])
    z0, z1 = _matvec(table.T, w8)
    xi = x.astype(jnp.int32)
    bvec = jnp.full((16,), b[0], jnp.float32)
    out = _gather_call(z0, z1, xi[:, 0], xi[:, 1], bvec)
    return out.reshape(BATCH, 1)

# --- scband reference (transcript-rebuilt; emitter-appended) ---
"""Pipeline reference for scband-classify-net-42795054137604 (READ-ONLY COPY).

The authoritative reference and input builder live on the scoring server;
editing this copy changes nothing except your own understanding.
"""

import jax, jax.numpy as jnp
import numpy as np

N_DICT = 1000000
EMB = 64
BATCH = 16384

def setup_inputs(seed: int = 0) -> dict:
    key = jax.random.key(seed)
    k1, k2, k3, k4 = jax.random.split(key, 4)
    x = jax.random.randint(k1, (BATCH, 2), 0, N_DICT, dtype=jnp.int64)
    table = jax.random.normal(k2, (N_DICT, EMB), dtype=jnp.float32)
    W = jax.random.normal(k3, (2 * EMB, 1), dtype=jnp.float32) * (1.0 / np.sqrt(2 * EMB))
    b = jax.random.normal(k4, (1,), dtype=jnp.float32) * 0.01
    return {"x": x, "table": table, "W": W, "b": b}

def reference(x, table, W, b):
    # nn.Embedding lookup -> gather
    emb = jnp.take(table, x, axis=0)          # [B, 2, EMB]
    emb = emb.reshape(-1, 2 * EMB)            # [B, 2*EMB]
    out = emb @ W + b                          # nn.Linear(2*EMB, 1)
    out = jax.nn.sigmoid(out)
    return out

if __name__ == "__main__":
    import jax
    _d = setup_inputs()
    print(jax.jit(kernel)(*tuple(_d.values())))

</pallas_src>

<mosaic_0001>
#map = affine_map<(d0, d1) -> (0)>
module attributes {stable_mosaic.version = 14 : i64} {
  func.func @_gather_body(%arg0: i32, %arg1: i32, %arg2: memref<1000000xf32, #tpu.memory_space<hbm>>, %arg3: memref<1000000xf32, #tpu.memory_space<hbm>>, %arg4: memref<16384xi32, #tpu.memory_space<hbm>>, %arg5: memref<16384xi32, #tpu.memory_space<hbm>>, %arg6: memref<16xf32, #tpu.memory_space<hbm>>, %arg7: memref<16384xf32, #tpu.memory_space<hbm>>, %arg8: memref<512xi32, #tpu.memory_space<vmem>>, %arg9: memref<512xi32, #tpu.memory_space<vmem>>, %arg10: memref<512xf32, #tpu.memory_space<vmem>>, %arg11: memref<512xf32, #tpu.memory_space<vmem>>, %arg12: memref<16xf32, #tpu.memory_space<vmem>>, %arg13: memref<512xf32, #tpu.memory_space<vmem>>, %arg14: memref<!tpu.dma_semaphore, #tpu.memory_space<semaphore_mem>>) attributes {dimension_semantics = [#tpu.dimension_semantics<core_parallel>, #tpu.dimension_semantics<subcore_parallel>], iteration_bounds = array<i64: 2, 16>, scalar_prefetch = 0 : i64, scratch_operands = 7 : i64, tpu.core_type = #tpu.core_type<sc_vector_subcore>, window_params = [{transform_indices = #map}, {transform_indices = #map}, {transform_indices = #map}, {transform_indices = #map}, {transform_indices = #map}, {transform_indices = #map}]} {
    %mul3A = arith.constant 2 : i32
    %mul3A_0 = arith.muli %arg1, %mul3A : i32
    %add3A = arith.addi %mul3A_0, %arg0 : i32
    %mul3A_1 = arith.constant 512 : i32
    %mul3A_2 = arith.muli %add3A, %mul3A_1 : i32
    "tpu.region"() ({
      %run_scoped3A = tpu.sem_alloc : memref<!tpu.dma_semaphore, #tpu.memory_space<semaphore_mem>>
      %dma_start3A_670 = tpu.memref_slice %arg4[%mul3A_2] : memref<16384xi32, #tpu.memory_space<hbm>> -> memref<512xi32, #tpu.memory_space<hbm>>
      %dma_start3A_671 = tpu.memref_slice %arg4[%mul3A_2] : memref<16384xi32, #tpu.memory_space<hbm>> -> memref<512xi32, #tpu.memory_space<hbm>>
      tpu.enqueue_dma source(%dma_start3A_671 : memref<512xi32, #tpu.memory_space<hbm>>) target(%arg8 : memref<512xi32, #tpu.memory_space<vmem>>) target_semaphore(%run_scoped3A : memref<!tpu.dma_semaphore, #tpu.memory_space<semaphore_mem>>)
      %dma_wait3A_672 = tpu.memref_slice %arg4[%mul3A_2] : memref<16384xi32, #tpu.memory_space<hbm>> -> memref<512xi32, #tpu.memory_space<hbm>>
      %dma_wait3A_673 = tpu.memref_slice %arg4[%mul3A_2] : memref<16384xi32, #tpu.memory_space<hbm>> -> memref<512xi32, #tpu.memory_space<hbm>>
      tpu.wait_dma2 semaphore(%run_scoped3A : memref<!tpu.dma_semaphore, #tpu.memory_space<semaphore_mem>>) src(%dma_wait3A_673 : memref<512xi32, #tpu.memory_space<hbm>>) dst(%arg8 : memref<512xi32, #tpu.memory_space<vmem>>)
      tpu.yield
    }) : () -> ()
    "tpu.region"() ({
      %run_scoped3A = tpu.sem_alloc : memref<!tpu.dma_semaphore, #tpu.memory_space<semaphore_mem>>
      %dma_start3A_670 = tpu.memref_slice %arg5[%mul3A_2] : memref<16384xi32, #tpu.memory_space<hbm>> -> memref<512xi32, #tpu.memory_space<hbm>>
      %dma_start3A_671 = tpu.memref_slice %arg5[%mul3A_2] : memref<16384xi32, #tpu.memory_space<hbm>> -> memref<512xi32, #tpu.memory_space<hbm>>
      tpu.enqueue_dma source(%dma_start3A_671 : memref<512xi32, #tpu.memory_space<hbm>>) target(%arg9 : memref<512xi32, #tpu.memory_space<vmem>>) target_semaphore(%run_scoped3A : memref<!tpu.dma_semaphore, #tpu.memory_space<semaphore_mem>>)
      %dma_wait3A_672 = tpu.memref_slice %arg5[%mul3A_2] : memref<16384xi32, #tpu.memory_space<hbm>> -> memref<512xi32, #tpu.memory_space<hbm>>
      %dma_wait3A_673 = tpu.memref_slice %arg5[%mul3A_2] : memref<16384xi32, #tpu.memory_space<hbm>> -> memref<512xi32, #tpu.memory_space<hbm>>
      tpu.wait_dma2 semaphore(%run_scoped3A : memref<!tpu.dma_semaphore, #tpu.memory_space<semaphore_mem>>) src(%dma_wait3A_673 : memref<512xi32, #tpu.memory_space<hbm>>) dst(%arg9 : memref<512xi32, #tpu.memory_space<vmem>>)
      tpu.yield
    }) : () -> ()
    "tpu.region"() ({
      %run_scoped3A = tpu.sem_alloc : memref<!tpu.dma_semaphore, #tpu.memory_space<semaphore_mem>>
      tpu.enqueue_dma source(%arg6 : memref<16xf32, #tpu.memory_space<hbm>>) target(%arg12 : memref<16xf32, #tpu.memory_space<vmem>>) target_semaphore(%run_scoped3A : memref<!tpu.dma_semaphore, #tpu.memory_space<semaphore_mem>>)
      tpu.wait_dma2 semaphore(%run_scoped3A : memref<!tpu.dma_semaphore, #tpu.memory_space<semaphore_mem>>) src(%arg6 : memref<16xf32, #tpu.memory_space<hbm>>) dst(%arg12 : memref<16xf32, #tpu.memory_space<vmem>>)
      tpu.yield
    }) : () -> ()
    %dma_start3A = arith.constant 0 : i32
    %dma_start3A_3 = tpu.memref_slice %arg10[%dma_start3A] : memref<512xf32, #tpu.memory_space<vmem>> -> memref<128xf32, #tpu.memory_space<vmem>>
    %dma_start3A_4 = arith.constant 0 : i32
    %dma_start3A_5 = tpu.memref_slice %arg8[%dma_start3A_4] : memref<512xi32, #tpu.memory_space<vmem>> -> memref<128xi32, #tpu.memory_space<vmem>>
    %dma_start3A_6 = arith.constant 0 : i32
    %dma_start3A_7 = tpu.memref_slice %arg2[%dma_start3A_6] : memref<1000000xf32, #tpu.memory_space<hbm>> -> memref<1000000xf32, #tpu.memory_space<hbm>>
    tpu.enqueue_indirect_dma source(%dma_start3A_7 : memref<1000000xf32, #tpu.memory_space<hbm>>) target(%dma_start3A_3 : memref<128xf32, #tpu.memory_space<vmem>>) offsets(%dma_start3A_5 : memref<128xi32, #tpu.memory_space<vmem>>) semaphore(%arg14 : memref<!tpu.dma_semaphore, #tpu.memory_space<semaphore_mem>>)
    %dma_start3A_8 = arith.constant 0 : i32
    %dma_start3A_9 = tpu.memref_slice %arg11[%dma_start3A_8] : memref<512xf32, #tpu.memory_space<vmem>> -> memref<128xf32, #tpu.memory_space<vmem>>
    %dma_start3A_10 = arith.constant 0 : i32
    %dma_start3A_11 = tpu.memref_slice %arg9[%dma_start3A_10] : memref<512xi32, #tpu.memory_space<vmem>> -> memref<128xi32, #tpu.memory_space<vmem>>
    %dma_start3A_12 = arith.constant 0 : i32
    %dma_start3A_13 = tpu.memref_slice %arg3[%dma_start3A_12] : memref<1000000xf32, #tpu.memory_space<hbm>> -> memref<1000000xf32, #tpu.memory_space<hbm>>
    tpu.enqueue_indirect_dma source(%dma_start3A_13 : memref<1000000xf32, #tpu.memory_space<hbm>>) target(%dma_start3A_9 : memref<128xf32, #tpu.memory_space<vmem>>) offsets(%dma_start3A_11 : memref<128xi32, #tpu.memory_space<vmem>>) semaphore(%arg14 : memref<!tpu.dma_semaphore, #tpu.memory_space<semaphore_mem>>)
    %dma_start3A_14 = arith.constant 128 : i32
    %dma_start3A_15 = tpu.memref_slice %arg10[%dma_start3A_14] : memref<512xf32, #tpu.memory_space<vmem>> -> memref<128xf32, #tpu.memory_space<vmem>>
    %dma_start3A_16 = arith.constant 128 : i32
    %dma_start3A_17 = tpu.memref_slice %arg8[%dma_start3A_16] : memref<512xi32, #tpu.memory_space<vmem>> -> memref<128xi32, #tpu.memory_space<vmem>>
    %dma_start3A_18 = arith.constant 0 : i32
    %dma_start3A_19 = tpu.memref_slice %arg2[%dma_start3A_18] : memref<1000000xf32, #tpu.memory_space<hbm>> -> memref<1000000xf32, #tpu.memory_space<hbm>>
    tpu.enqueue_indirect_dma source(%dma_start3A_19 : memref<1000000xf32, #tpu.memory_space<hbm>>) target(%dma_start3A_15 : memref<128xf32, #tpu.memory_space<vmem>>) offsets(%dma_start3A_17 : memref<128xi32, #tpu.memory_space<vmem>>) semaphore(%arg14 : memref<!tpu.dma_semaphore, #tpu.memory_space<semaphore_mem>>)
    %dma_start3A_20 = arith.constant 128 : i32
    %dma_start3A_21 = tpu.memref_slice %arg11[%dma_start3A_20] : memref<512xf32, #tpu.memory_space<vmem>> -> memref<128xf32, #tpu.memory_space<vmem>>
    %dma_start3A_22 = arith.constant 128 : i32
    %dma_start3A_23 = tpu.memref_slice %arg9[%dma_start3A_22] : memref<512xi32, #tpu.memory_space<vmem>> -> memref<128xi32, #tpu.memory_space<vmem>>
    %dma_start3A_24 = arith.constant 0 : i32
    %dma_start3A_25 = tpu.memref_slice %arg3[%dma_start3A_24] : memref<1000000xf32, #tpu.memory_space<hbm>> -> memref<1000000xf32, #tpu.memory_space<hbm>>
    tpu.enqueue_indirect_dma source(%dma_start3A_25 : memref<1000000xf32, #tpu.memory_space<hbm>>) target(%dma_start3A_21 : memref<128xf32, #tpu.memory_space<vmem>>) offsets(%dma_start3A_23 : memref<128xi32, #tpu.memory_space<vmem>>) semaphore(%arg14 : memref<!tpu.dma_semaphore, #tpu.memory_space<semaphore_mem>>)
    %dma_start3A_26 = arith.constant 256 : i32
    %dma_start3A_27 = tpu.memref_slice %arg10[%dma_start3A_26] : memref<512xf32, #tpu.memory_space<vmem>> -> memref<128xf32, #tpu.memory_space<vmem>>
    %dma_start3A_28 = arith.constant 256 : i32
    %dma_start3A_29 = tpu.memref_slice %arg8[%dma_start3A_28] : memref<512xi32, #tpu.memory_space<vmem>> -> memref<128xi32, #tpu.memory_space<vmem>>
    %dma_start3A_30 = arith.constant 0 : i32
    %dma_start3A_31 = tpu.memref_slice %arg2[%dma_start3A_30] : memref<1000000xf32, #tpu.memory_space<hbm>> -> memref<1000000xf32, #tpu.memory_space<hbm>>
    tpu.enqueue_indirect_dma source(%dma_start3A_31 : memref<1000000xf32, #tpu.memory_space<hbm>>) target(%dma_start3A_27 : memref<128xf32, #tpu.memory_space<vmem>>) offsets(%dma_start3A_29 : memref<128xi32, #tpu.memory_space<vmem>>) semaphore(%arg14 : memref<!tpu.dma_semaphore, #tpu.memory_space<semaphore_mem>>)
    %dma_start3A_32 = arith.constant 256 : i32
    %dma_start3A_33 = tpu.memref_slice %arg11[%dma_start3A_32] : memref<512xf32, #tpu.memory_space<vmem>> -> memref<128xf32, #tpu.memory_space<vmem>>
    %dma_start3A_34 = arith.constant 256 : i32
    %dma_start3A_35 = tpu.memref_slice %arg9[%dma_start3A_34] : memref<512xi32, #tpu.memory_space<vmem>> -> memref<128xi32, #tpu.memory_space<vmem>>
    %dma_start3A_36 = arith.constant 0 : i32
    %dma_start3A_37 = tpu.memref_slice %arg3[%dma_start3A_36] : memref<1000000xf32, #tpu.memory_space<hbm>> -> memref<1000000xf32, #tpu.memory_space<hbm>>
    tpu.enqueue_indirect_dma source(%dma_start3A_37 : memref<1000000xf32, #tpu.memory_space<hbm>>) target(%dma_start3A_33 : memref<128xf32, #tpu.memory_space<vmem>>) offsets(%dma_start3A_35 : memref<128xi32, #tpu.memory_space<vmem>>) semaphore(%arg14 : memref<!tpu.dma_semaphore, #tpu.memory_space<semaphore_mem>>)
    %dma_start3A_38 = arith.constant 384 : i32
    %dma_start3A_39 = tpu.memref_slice %arg10[%dma_start3A_38] : memref<512xf32, #tpu.memory_space<vmem>> -> memref<128xf32, #tpu.memory_space<vmem>>
    %dma_start3A_40 = arith.constant 384 : i32
    %dma_start3A_41 = tpu.memref_slice %arg8[%dma_start3A_40] : memref<512xi32, #tpu.memory_space<vmem>> -> memref<128xi32, #tpu.memory_space<vmem>>
    %dma_start3A_42 = arith.constant 0 : i32
    %dma_start3A_43 = tpu.memref_slice %arg2[%dma_start3A_42] : memref<1000000xf32, #tpu.memory_space<hbm>> -> memref<1000000xf32, #tpu.memory_space<hbm>>
    tpu.enqueue_indirect_dma source(%dma_start3A_43 : memref<1000000xf32, #tpu.memory_space<hbm>>) target(%dma_start3A_39 : memref<128xf32, #tpu.memory_space<vmem>>) offsets(%dma_start3A_41 : memref<128xi32, #tpu.memory_space<vmem>>) semaphore(%arg14 : memref<!tpu.dma_semaphore, #tpu.memory_space<semaphore_mem>>)
    %dma_start3A_44 = arith.constant 384 : i32
    %dma_start3A_45 = tpu.memref_slice %arg11[%dma_start3A_44] : memref<512xf32, #tpu.memory_space<vmem>> -> memref<128xf32, #tpu.memory_space<vmem>>
    %dma_start3A_46 = arith.constant 384 : i32
    %dma_start3A_47 = tpu.memref_slice %arg9[%dma_start3A_46] : memref<512xi32, #tpu.memory_space<vmem>> -> memref<128xi32, #tpu.memory_space<vmem>>
    %dma_start3A_48 = arith.constant 0 : i32
    %dma_start3A_49 = tpu.memref_slice %arg3[%dma_start3A_48] : memref<1000000xf32, #tpu.memory_space<hbm>> -> memref<1000000xf32, #tpu.memory_space<hbm>>
    tpu.enqueue_indirect_dma source(%dma_start3A_49 : memref<1000000xf32, #tpu.memory_space<hbm>>) target(%dma_start3A_45 : memref<128xf32, #tpu.memory_space<vmem>>) offsets(%dma_start3A_47 : memref<128xi32, #tpu.memory_space<vmem>>) semaphore(%arg14 : memref<!tpu.dma_semaphore, #tpu.memory_space<semaphore_mem>>)
    %dma_wait3A = arith.constant 0 : i32
    %dma_wait3A_50 = tpu.memref_slice %arg10[%dma_wait3A] : memref<512xf32, #tpu.memory_space<vmem>> -> memref<128xf32, #tpu.memory_space<vmem>>
    %dma_wait3A_51 = arith.constant 0 : i32
    %dma_wait3A_52 = tpu.memref_slice %arg8[%dma_wait3A_51] : memref<512xi32, #tpu.memory_space<vmem>> -> memref<128xi32, #tpu.memory_space<vmem>>
    %dma_wait3A_53 = arith.constant 0 : i32
    %dma_wait3A_54 = tpu.memref_slice %arg2[%dma_wait3A_53] : memref<1000000xf32, #tpu.memory_space<hbm>> -> memref<1000000xf32, #tpu.memory_space<hbm>>
    tpu.wait_indirect_dma semaphore(%arg14 : memref<!tpu.dma_semaphore, #tpu.memory_space<semaphore_mem>>) src(%dma_wait3A_54 : memref<1000000xf32, #tpu.memory_space<hbm>>) dst(%dma_wait3A_50 : memref<128xf32, #tpu.memory_space<vmem>>)
    %dma_wait3A_55 = arith.constant 0 : i32
    %dma_wait3A_56 = tpu.memref_slice %arg11[%dma_wait3A_55] : memref<512xf32, #tpu.memory_space<vmem>> -> memref<128xf32, #tpu.memory_space<vmem>>
    %dma_wait3A_57 = arith.constant 0 : i32
    %dma_wait3A_58 = tpu.memref_slice %arg9[%dma_wait3A_57] : memref<512xi32, #tpu.memory_space<vmem>> -> memref<128xi32, #tpu.memory_space<vmem>>
    %dma_wait3A_59 = arith.constant 0 : i32
    %dma_wait3A_60 = tpu.memref_slice %arg3[%dma_wait3A_59] : memref<1000000xf32, #tpu.memory_space<hbm>> -> memref<1000000xf32, #tpu.memory_space<hbm>>
    tpu.wait_indirect_dma semaphore(%arg14 : memref<!tpu.dma_semaphore, #tpu.memory_space<semaphore_mem>>) src(%dma_wait3A_60 : memref<1000000xf32, #tpu.memory_space<hbm>>) dst(%dma_wait3A_56 : memref<128xf32, #tpu.memory_space<vmem>>)
    %dma_wait3A_61 = arith.constant 128 : i32
    %dma_wait3A_62 = tpu.memref_slice %arg10[%dma_wait3A_61] : memref<512xf32, #tpu.memory_space<vmem>> -> memref<128xf32, #tpu.memory_space<vmem>>
    %dma_wait3A_63 = arith.constant 128 : i32
    %dma_wait3A_64 = tpu.memref_slice %arg8[%dma_wait3A_63] : memref<512xi32, #tpu.memory_space<vmem>> -> memref<128xi32, #tpu.memory_space<vmem>>
    %dma_wait3A_65 = arith.constant 0 : i32
    %dma_wait3A_66 = tpu.memref_slice %arg2[%dma_wait3A_65] : memref<1000000xf32, #tpu.memory_space<hbm>> -> memref<1000000xf32, #tpu.memory_space<hbm>>
    tpu.wait_indirect_dma semaphore(%arg14 : memref<!tpu.dma_semaphore, #tpu.memory_space<semaphore_mem>>) src(%dma_wait3A_66 : memref<1000000xf32, #tpu.memory_space<hbm>>) dst(%dma_wait3A_62 : memref<128xf32, #tpu.memory_space<vmem>>)
    %dma_wait3A_67 = arith.constant 128 : i32
    %dma_wait3A_68 = tpu.memref_slice %arg11[%dma_wait3A_67] : memref<512xf32, #tpu.memory_space<vmem>> -> memref<128xf32, #tpu.memory_space<vmem>>
    %dma_wait3A_69 = arith.constant 128 : i32
    %dma_wait3A_70 = tpu.memref_slice %arg9[%dma_wait3A_69] : memref<512xi32, #tpu.memory_space<vmem>> -> memref<128xi32, #tpu.memory_space<vmem>>
    %dma_wait3A_71 = arith.constant 0 : i32
    %dma_wait3A_72 = tpu.memref_slice %arg3[%dma_wait3A_71] : memref<1000000xf32, #tpu.memory_space<hbm>> -> memref<1000000xf32, #tpu.memory_space<hbm>>
    tpu.wait_indirect_dma semaphore(%arg14 : memref<!tpu.dma_semaphore, #tpu.memory_space<semaphore_mem>>) src(%dma_wait3A_72 : memref<1000000xf32, #tpu.memory_space<hbm>>) dst(%dma_wait3A_68 : memref<128xf32, #tpu.memory_space<vmem>>)
    %dma_wait3A_73 = arith.constant 256 : i32
    %dma_wait3A_74 = tpu.memref_slice %arg10[%dma_wait3A_73] : memref<512xf32, #tpu.memory_space<vmem>> -> memref<128xf32, #tpu.memory_space<vmem>>
    %dma_wait3A_75 = arith.constant 256 : i32
    %dma_wait3A_76 = tpu.memref_slice %arg8[%dma_wait3A_75] : memref<512xi32, #tpu.memory_space<vmem>> -> memref<128xi32, #tpu.memory_space<vmem>>
    %dma_wait3A_77 = arith.constant 0 : i32
    %dma_wait3A_78 = tpu.memref_slice %arg2[%dma_wait3A_77] : memref<1000000xf32, #tpu.memory_space<hbm>> -> memref<1000000xf32, #tpu.memory_space<hbm>>
    tpu.wait_indirect_dma semaphore(%arg14 : memref<!tpu.dma_semaphore, #tpu.memory_space<semaphore_mem>>) src(%dma_wait3A_78 : memref<1000000xf32, #tpu.memory_space<hbm>>) dst(%dma_wait3A_74 : memref<128xf32, #tpu.memory_space<vmem>>)
    %dma_wait3A_79 = arith.constant 256 : i32
    %dma_wait3A_80 = tpu.memref_slice %arg11[%dma_wait3A_79] : memref<512xf32, #tpu.memory_space<vmem>> -> memref<128xf32, #tpu.memory_space<vmem>>
    %dma_wait3A_81 = arith.constant 256 : i32
    %dma_wait3A_82 = tpu.memref_slice %arg9[%dma_wait3A_81] : memref<512xi32, #tpu.memory_space<vmem>> -> memref<128xi32, #tpu.memory_space<vmem>>
    %dma_wait3A_83 = arith.constant 0 : i32
    %dma_wait3A_84 = tpu.memref_slice %arg3[%dma_wait3A_83] : memref<1000000xf32, #tpu.memory_space<hbm>> -> memref<1000000xf32, #tpu.memory_space<hbm>>
    tpu.wait_indirect_dma semaphore(%arg14 : memref<!tpu.dma_semaphore, #tpu.memory_space<semaphore_mem>>) src(%dma_wait3A_84 : memref<1000000xf32, #tpu.memory_space<hbm>>) dst(%dma_wait3A_80 : memref<128xf32, #tpu.memory_space<vmem>>)
    %dma_wait3A_85 = arith.constant 384 : i32
    %dma_wait3A_86 = tpu.memref_slice %arg10[%dma_wait3A_85] : memref<512xf32, #tpu.memory_space<vmem>> -> memref<128xf32, #tpu.memory_space<vmem>>
    %dma_wait3A_87 = arith.constant 384 : i32
    %dma_wait3A_88 = tpu.memref_slice %arg8[%dma_wait3A_87] : memref<512xi32, #tpu.memory_space<vmem>> -> memref<128xi32, #tpu.memory_space<vmem>>
    %dma_wait3A_89 = arith.constant 0 : i32
    %dma_wait3A_90 = tpu.memref_slice %arg2[%dma_wait3A_89] : memref<1000000xf32, #tpu.memory_space<hbm>> -> memref<1000000xf32, #tpu.memory_space<hbm>>
    tpu.wait_indirect_dma semaphore(%arg14 : memref<!tpu.dma_semaphore, #tpu.memory_space<semaphore_mem>>) src(%dma_wait3A_90 : memref<1000000xf32, #tpu.memory_space<hbm>>) dst(%dma_wait3A_86 : memref<128xf32, #tpu.memory_space<vmem>>)
    %dma_wait3A_91 = arith.constant 384 : i32
    %dma_wait3A_92 = tpu.memref_slice %arg11[%dma_wait3A_91] : memref<512xf32, #tpu.memory_space<vmem>> -> memref<128xf32, #tpu.memory_space<vmem>>
    %dma_wait3A_93 = arith.constant 384 : i32
    %dma_wait3A_94 = tpu.memref_slice %arg9[%dma_wait3A_93] : memref<512xi32, #tpu.memory_space<vmem>> -> memref<128xi32, #tpu.memory_space<vmem>>
    %dma_wait3A_95 = arith.constant 0 : i32
    %dma_wait3A_96 = tpu.memref_slice %arg3[%dma_wait3A_95] : memref<1000000xf32, #tpu.memory_space<hbm>> -> memref<1000000xf32, #tpu.memory_space<hbm>>
    tpu.wait_indirect_dma semaphore(%arg14 : memref<!tpu.dma_semaphore, #tpu.memory_space<semaphore_mem>>) src(%dma_wait3A_96 : memref<1000000xf32, #tpu.memory_space<hbm>>) dst(%dma_wait3A_92 : memref<128xf32, #tpu.memory_space<vmem>>)
    %get3A = arith.constant 0 : index
    %get3A_97 = tpu.vector_load %arg12[%get3A] {strides = array<i32>} : memref<16xf32, #tpu.memory_space<vmem>>, vector<16xf32>,
    %get3A_98 = arith.constant 0 : index
    %get3A_99 = tpu.vector_load %arg10[%get3A_98] {strides = array<i32>} : memref<512xf32, #tpu.memory_space<vmem>>, vector<16xf32>,
    %get3A_100 = arith.constant 0 : index
    %get3A_101 = tpu.vector_load %arg11[%get3A_100] {strides = array<i32>} : memref<512xf32, #tpu.memory_space<vmem>>, vector<16xf32>,
    %add3A_102 = arith.addf %get3A_99, %get3A_101 : vector<16xf32>
    %add3A_103 = arith.addf %add3A_102, %get3A_97 : vector<16xf32>
    %neg3A = arith.constant 0.000000e+00 : f32
    %neg3A_104 = vector.broadcast %neg3A : f32 to vector<16xf32>
    %neg3A_105 = arith.subf %neg3A_104, %add3A_103 : vector<16xf32>
    %exp3A = math.exp %neg3A_105 : vector<16xf32>
    %add3A_106 = arith.constant 1.000000e+00 : f32
    %add3A_107 = vector.broadcast %add3A_106 : f32 to vector<16xf32>
    %add3A_108 = arith.addf %add3A_107, %exp3A : vector<16xf32>
    %div3A = arith.constant 1.000000e+00 : f32
    %div3A_109 = vector.broadcast %div3A : f32 to vector<16xf32>
    %div3A_110 = arith.divf %div3A_109, %add3A_108 : vector<16xf32>
    %swap3A = arith.constant 0 : index
    %swap3A_111 = tpu.vector_load %arg13[%swap3A] {strides = array<i32>} : memref<512xf32, #tpu.memory_space<vmem>>, vector<16xf32>,
    tpu.vector_store %arg13[%swap3A], %div3A_110 {strides = array<i32>} : memref<512xf32, #tpu.memory_space<vmem>>, vector<16xf32>,
    %get3A_112 = arith.constant 16 : index
    %get3A_113 = tpu.vector_load %arg10[%get3A_112] {strides = array<i32>} : memref<512xf32, #tpu.memory_space<vmem>>, vector<16xf32>,
    %get3A_114 = arith.constant 16 : index
    %get3A_115 = tpu.vector_load %arg11[%get3A_114] {strides = array<i32>} : memref<512xf32, #tpu.memory_space<vmem>>, vector<16xf32>,
    %add3A_116 = arith.addf %get3A_113, %get3A_115 : vector<16xf32>
    %add3A_117 = arith.addf %add3A_116, %get3A_97 : vector<16xf32>
    %neg3A_118 = arith.constant 0.000000e+00 : f32
    %neg3A_119 = vector.broadcast %neg3A_118 : f32 to vector<16xf32>
    %neg3A_120 = arith.subf %neg3A_119, %add3A_117 : vector<16xf32>
    %exp3A_121 = math.exp %neg3A_120 : vector<16xf32>
    %add3A_122 = arith.constant 1.000000e+00 : f32
    %add3A_123 = vector.broadcast %add3A_122 : f32 to vector<16xf32>
    %add3A_124 = arith.addf %add3A_123, %exp3A_121 : vector<16xf32>
    %div3A_125 = arith.constant 1.000000e+00 : f32
    %div3A_126 = vector.broadcast %div3A_125 : f32 to vector<16xf32>
    %div3A_127 = arith.divf %div3A_126, %add3A_124 : vector<16xf32>
    %swap3A_128 = arith.constant 16 : index
    %swap3A_129 = tpu.vector_load %arg13[%swap3A_128] {strides = array<i32>} : memref<512xf32, #tpu.memory_space<vmem>>, vector<16xf32>,
    tpu.vector_store %arg13[%swap3A_128], %div3A_127 {strides = array<i32>} : memref<512xf32, #tpu.memory_space<vmem>>, vector<16xf32>,
    %get3A_130 = arith.constant 32 : index
    %get3A_131 = tpu.vector_load %arg10[%get3A_130] {strides = array<i32>} : memref<512xf32, #tpu.memory_space<vmem>>, vector<16xf32>,
    %get3A_132 = arith.constant 32 : index
    %get3A_133 = tpu.vector_load %arg11[%get3A_132] {strides = array<i32>} : memref<512xf32, #tpu.memory_space<vmem>>, vector<16xf32>,
    %add3A_134 = arith.addf %get3A_131, %get3A_133 : vector<16xf32>
    %add3A_135 = arith.addf %add3A_134, %get3A_97 : vector<16xf32>
    %neg3A_136 = arith.constant 0.000000e+00 : f32
    %neg3A_137 = vector.broadcast %neg3A_136 : f32 to vector<16xf32>
    %neg3A_138 = arith.subf %neg3A_137, %add3A_135 : vector<16xf32>
    %exp3A_139 = math.exp %neg3A_138 : vector<16xf32>
    %add3A_140 = arith.constant 1.000000e+00 : f32
    %add3A_141 = vector.broadcast %add3A_140 : f32 to vector<16xf32>
    %add3A_142 = arith.addf %add3A_141, %exp3A_139 : vector<16xf32>
    %div3A_143 = arith.constant 1.000000e+00 : f32
    %div3A_144 = vector.broadcast %div3A_143 : f32 to vector<16xf32>
    %div3A_145 = arith.divf %div3A_144, %add3A_142 : vector<16xf32>
    %swap3A_146 = arith.constant 32 : index
    %swap3A_147 = tpu.vector_load %arg13[%swap3A_146] {strides = array<i32>} : memref<512xf32, #tpu.memory_space<vmem>>, vector<16xf32>,
    tpu.vector_store %arg13[%swap3A_146], %div3A_145 {strides = array<i32>} : memref<512xf32, #tpu.memory_space<vmem>>, vector<16xf32>,
    %get3A_148 = arith.constant 48 : index
    %get3A_149 = tpu.vector_load %arg10[%get3A_148] {strides = array<i32>} : memref<512xf32, #tpu.memory_space<vmem>>, vector<16xf32>,
    %get3A_150 = arith.constant 48 : index
    %get3A_151 = tpu.vector_load %arg11[%get3A_150] {strides = array<i32>} : memref<512xf32, #tpu.memory_space<vmem>>, vector<16xf32>,
    %add3A_152 = arith.addf %get3A_149, %get3A_151 : vector<16xf32>
    %add3A_153 = arith.addf %add3A_152, %get3A_97 : vector<16xf32>
    %neg3A_154 = arith.constant 0.000000e+00 : f32
    %neg3A_155 = vector.broadcast %neg3A_154 : f32 to vector<16xf32>
    %neg3A_156 = arith.subf %neg3A_155, %add3A_153 : vector<16xf32>
    %exp3A_157 = math.exp %neg3A_156 : vector<16xf32>
    %add3A_158 = arith.constant 1.000000e+00 : f32
    %add3A_159 = vector.broadcast %add3A_158 : f32 to vector<16xf32>
    %add3A_160 = arith.addf %add3A_159, %exp3A_157 : vector<16xf32>
    %div3A_161 = arith.constant 1.000000e+00 : f32
    %div3A_162 = vector.broadcast %div3A_161 : f32 to vector<16xf32>
    %div3A_163 = arith.divf %div3A_162, %add3A_160 : vector<16xf32>
    %swap3A_164 = arith.constant 48 : index
    %swap3A_165 = tpu.vector_load %arg13[%swap3A_164] {strides = array<i32>} : memref<512xf32, #tpu.memory_space<vmem>>, vector<16xf32>,
    tpu.vector_store %arg13[%swap3A_164], %div3A_163 {strides = array<i32>} : memref<512xf32, #tpu.memory_space<vmem>>, vector<16xf32>,
    %get3A_166 = arith.constant 64 : index
    %get3A_167 = tpu.vector_load %arg10[%get3A_166] {strides = array<i32>} : memref<512xf32, #tpu.memory_space<vmem>>, vector<16xf32>,
    %get3A_168 = arith.constant 64 : index
    %get3A_169 = tpu.vector_load %arg11[%get3A_168] {strides = array<i32>} : memref<512xf32, #tpu.memory_space<vmem>>, vector<16xf32>,
    %add3A_170 = arith.addf %get3A_167, %get3A_169 : vector<16xf32>
    %add3A_171 = arith.addf %add3A_170, %get3A_97 : vector<16xf32>
    %neg3A_172 = arith.constant 0.000000e+00 : f32
    %neg3A_173 = vector.broadcast %neg3A_172 : f32 to vector<16xf32>
    %neg3A_174 = arith.subf %neg3A_173, %add3A_171 : vector<16xf32>
    %exp3A_175 = math.exp %neg3A_174 : vector<16xf32>
    %add3A_176 = arith.constant 1.000000e+00 : f32
    %add3A_177 = vector.broadcast %add3A_176 : f32 to vector<16xf32>
    %add3A_178 = arith.addf %add3A_177, %exp3A_175 : vector<16xf32>
    %div3A_179 = arith.constant 1.000000e+00 : f32
    %div3A_180 = vector.broadcast %div3A_179 : f32 to vector<16xf32>
    %div3A_181 = arith.divf %div3A_180, %add3A_178 : vector<16xf32>
    %swap3A_182 = arith.constant 64 : index
    %swap3A_183 = tpu.vector_load %arg13[%swap3A_182] {strides = array<i32>} : memref<512xf32, #tpu.memory_space<vmem>>, vector<16xf32>,
    tpu.vector_store %arg13[%swap3A_182], %div3A_181 {strides = array<i32>} : memref<512xf32, #tpu.memory_space<vmem>>, vector<16xf32>,
    %get3A_184 = arith.constant 80 : index
    %get3A_185 = tpu.vector_load %arg10[%get3A_184] {strides = array<i32>} : memref<512xf32, #tpu.memory_space<vmem>>, vector<16xf32>,
    %get3A_186 = arith.constant 80 : index
    %get3A_187 = tpu.vector_load %arg11[%get3A_186] {strides = array<i32>} : memref<512xf32, #tpu.memory_space<vmem>>, vector<16xf32>,
    %add3A_188 = arith.addf %get3A_185, %get3A_187 : vector<16xf32>
    %add3A_189 = arith.addf %add3A_188, %get3A_97 : vector<16xf32>
    %neg3A_190 = arith.constant 0.000000e+00 : f32
    %neg3A_191 = vector.broadcast %neg3A_190 : f32 to vector<16xf32>
    %neg3A_192 = arith.subf %neg3A_191, %add3A_189 : vector<16xf32>
    %exp3A_193 = math.exp %neg3A_192 : vector<16xf32>
    %add3A_194 = arith.constant 1.000000e+00 : f32
    %add3A_195 = vector.broadcast %add3A_194 : f32 to vector<16xf32>
    %add3A_196 = arith.addf %add3A_195, %exp3A_193 : vector<16xf32>
    %div3A_197 = arith.constant 1.000000e+00 : f32
    %div3A_198 = vector.broadcast %div3A_197 : f32 to vector<16xf32>
    %div3A_199 = arith.divf %div3A_198, %add3A_196 : vector<16xf32>
    %swap3A_200 = arith.constant 80 : index
    %swap3A_201 = tpu.vector_load %arg13[%swap3A_200] {strides = array<i32>} : memref<512xf32, #tpu.memory_space<vmem>>, vector<16xf32>,
    tpu.vector_store %arg13[%swap3A_200], %div3A_199 {strides = array<i32>} : memref<512xf32, #tpu.memory_space<vmem>>, vector<16xf32>,
    %get3A_202 = arith.constant 96 : index
    %get3A_203 = tpu.vector_load %arg10[%get3A_202] {strides = array<i32>} : memref<512xf32, #tpu.memory_space<vmem>>, vector<16xf32>,
    %get3A_204 = arith.constant 96 : index
    %get3A_205 = tpu.vector_load %arg11[%get3A_204] {strides = array<i32>} : memref<512xf32, #tpu.memory_space<vmem>>, vector<16xf32>,
    %add3A_206 = arith.addf %get3A_203, %get3A_205 : vector<16xf32>
    %add3A_207 = arith.addf %add3A_206, %get3A_97 : vector<16xf32>
    %neg3A_208 = arith.constant 0.000000e+00 : f32
    %neg3A_209 = vector.broadcast %neg3A_208 : f32 to vector<16xf32>
    %neg3A_210 = arith.subf %neg3A_209, %add3A_207 : vector<16xf32>
    %exp3A_211 = math.exp %neg3A_210 : vector<16xf32>
    %add3A_212 = arith.constant 1.000000e+00 : f32
    %add3A_213 = vector.broadcast %add3A_212 : f32 to vector<16xf32>
    %add3A_214 = arith.addf %add3A_213, %exp3A_211 : vector<16xf32>
    %div3A_215 = arith.constant 1.000000e+00 : f32
    %div3A_216 = vector.broadcast %div3A_215 : f32 to vector<16xf32>
    %div3A_217 = arith.divf %div3A_216, %add3A_214 : vector<16xf32>
    %swap3A_218 = arith.constant 96 : index
    %swap3A_219 = tpu.vector_load %arg13[%swap3A_218] {strides = array<i32>} : memref<512xf32, #tpu.memory_space<vmem>>, vector<16xf32>,
    tpu.vector_store %arg13[%swap3A_218], %div3A_217 {strides = array<i32>} : memref<512xf32, #tpu.memory_space<vmem>>, vector<16xf32>,
    %get3A_220 = arith.constant 112 : index
    %get3A_221 = tpu.vector_load %arg10[%get3A_220] {strides = array<i32>} : memref<512xf32, #tpu.memory_space<vmem>>, vector<16xf32>,
    %get3A_222 = arith.constant 112 : index
    %get3A_223 = tpu.vector_load %arg11[%get3A_222] {strides = array<i32>} : memref<512xf32, #tpu.memory_space<vmem>>, vector<16xf32>,
    %add3A_224 = arith.addf %get3A_221, %get3A_223 : vector<16xf32>
    %add3A_225 = arith.addf %add3A_224, %get3A_97 : vector<16xf32>
    %neg3A_226 = arith.constant 0.000000e+00 : f32
    %neg3A_227 = vector.broadcast %neg3A_226 : f32 to vector<16xf32>
    %neg3A_228 = arith.subf %neg3A_227, %add3A_225 : vector<16xf32>
    %exp3A_229 = math.exp %neg3A_228 : vector<16xf32>
    %add3A_230 = arith.constant 1.000000e+00 : f32
    %add3A_231 = vector.broadcast %add3A_230 : f32 to vector<16xf32>
    %add3A_232 = arith.addf %add3A_231, %exp3A_229 : vector<16xf32>
    %div3A_233 = arith.constant 1.000000e+00 : f32
    %div3A_234 = vector.broadcast %div3A_233 : f32 to vector<16xf32>
    %div3A_235 = arith.divf %div3A_234, %add3A_232 : vector<16xf32>
    %swap3A_236 = arith.constant 112 : index
    %swap3A_237 = tpu.vector_load %arg13[%swap3A_236] {strides = array<i32>} : memref<512xf32, #tpu.memory_space<vmem>>, vector<16xf32>,
    tpu.vector_store %arg13[%swap3A_236], %div3A_235 {strides = array<i32>} : memref<512xf32, #tpu.memory_space<vmem>>, vector<16xf32>,
    %get3A_238 = arith.constant 128 : index
    %get3A_239 = tpu.vector_load %arg10[%get3A_238] {strides = array<i32>} : memref<512xf32, #tpu.memory_space<vmem>>, vector<16xf32>,
    %get3A_240 = arith.constant 128 : index
    %get3A_241 = tpu.vector_load %arg11[%get3A_240] {strides = array<i32>} : memref<512xf32, #tpu.memory_space<vmem>>, vector<16xf32>,
    %add3A_242 = arith.addf %get3A_239, %get3A_241 : vector<16xf32>
    %add3A_243 = arith.addf %add3A_242, %get3A_97 : vector<16xf32>
    %neg3A_244 = arith.constant 0.000000e+00 : f32
    %neg3A_245 = vector.broadcast %neg3A_244 : f32 to vector<16xf32>
    %neg3A_246 = arith.subf %neg3A_245, %add3A_243 : vector<16xf32>
    %exp3A_247 = math.exp %neg3A_246 : vector<16xf32>
    %add3A_248 = arith.constant 1.000000e+00 : f32
    %add3A_249 = vector.broadcast %add3A_248 : f32 to vector<16xf32>
    %add3A_250 = arith.addf %add3A_249, %exp3A_247 : vector<16xf32>
    %div3A_251 = arith.constant 1.000000e+00 : f32
    %div3A_252 = vector.broadcast %div3A_251 : f32 to vector<16xf32>
    %div3A_253 = arith.divf %div3A_252, %add3A_250 : vector<16xf32>
    %swap3A_254 = arith.constant 128 : index
    %swap3A_255 = tpu.vector_load %arg13[%swap3A_254] {strides = array<i32>} : memref<512xf32, #tpu.memory_space<vmem>>, vector<16xf32>,
    tpu.vector_store %arg13[%swap3A_254], %div3A_253 {strides = array<i32>} : memref<512xf32, #tpu.memory_space<vmem>>, vector<16xf32>,
    %get3A_256 = arith.constant 144 : index
    %get3A_257 = tpu.vector_load %arg10[%get3A_256] {strides = array<i32>} : memref<512xf32, #tpu.memory_space<vmem>>, vector<16xf32>,
    %get3A_258 = arith.constant 144 : index
    %get3A_259 = tpu.vector_load %arg11[%get3A_258] {strides = array<i32>} : memref<512xf32, #tpu.memory_space<vmem>>, vector<16xf32>,
    %add3A_260 = arith.addf %get3A_257, %get3A_259 : vector<16xf32>
    %add3A_261 = arith.addf %add3A_260, %get3A_97 : vector<16xf32>
    %neg3A_262 = arith.constant 0.000000e+00 : f32
    %neg3A_263 = vector.broadcast %neg3A_262 : f32 to vector<16xf32>
    %neg3A_264 = arith.subf %neg3A_263, %add3A_261 : vector<16xf32>
    %exp3A_265 = math.exp %neg3A_264 : vector<16xf32>
    %add3A_266 = arith.constant 1.000000e+00 : f32
    %add3A_267 = vector.broadcast %add3A_266 : f32 to vector<16xf32>
    %add3A_268 = arith.addf %add3A_267, %exp3A_265 : vector<16xf32>
    %div3A_269 = arith.constant 1.000000e+00 : f32
    %div3A_270 = vector.broadcast %div3A_269 : f32 to vector<16xf32>
    %div3A_271 = arith.divf %div3A_270, %add3A_268 : vector<16xf32>
    %swap3A_272 = arith.constant 144 : index
    %swap3A_273 = tpu.vector_load %arg13[%swap3A_272] {strides = array<i32>} : memref<512xf32, #tpu.memory_space<vmem>>, vector<16xf32>,
    tpu.vector_store %arg13[%swap3A_272], %div3A_271 {strides = array<i32>} : memref<512xf32, #tpu.memory_space<vmem>>, vector<16xf32>,
    %get3A_274 = arith.constant 160 : index
    %get3A_275 = tpu.vector_load %arg10[%get3A_274] {strides = array<i32>} : memref<512xf32, #tpu.memory_space<vmem>>, vector<16xf32>,
    %get3A_276 = arith.constant 160 : index
    %get3A_277 = tpu.vector_load %arg11[%get3A_276] {strides = array<i32>} : memref<512xf32, #tpu.memory_space<vmem>>, vector<16xf32>,
    %add3A_278 = arith.addf %get3A_275, %get3A_277 : vector<16xf32>
    %add3A_279 = arith.addf %add3A_278, %get3A_97 : vector<16xf32>
    %neg3A_280 = arith.constant 0.000000e+00 : f32
    %neg3A_281 = vector.broadcast %neg3A_280 : f32 to vector<16xf32>
    %neg3A_282 = arith.subf %neg3A_281, %add3A_279 : vector<16xf32>
    %exp3A_283 = math.exp %neg3A_282 : vector<16xf32>
    %add3A_284 = arith.constant 1.000000e+00 : f32
    %add3A_285 = vector.broadcast %add3A_284 : f32 to vector<16xf32>
    %add3A_286 = arith.addf %add3A_285, %exp3A_283 : vector<16xf32>
    %div3A_287 = arith.constant 1.000000e+00 : f32
    %div3A_288 = vector.broadcast %div3A_287 : f32 to vector<16xf32>
    %div3A_289 = arith.divf %div3A_288, %add3A_286 : vector<16xf32>
    %swap3A_290 = arith.constant 160 : index
    %swap3A_291 = tpu.vector_load %arg13[%swap3A_290] {strides = array<i32>} : memref<512xf32, #tpu.memory_space<vmem>>, vector<16xf32>,
    tpu.vector_store %arg13[%swap3A_290], %div3A_289 {strides = array<i32>} : memref<512xf32, #tpu.memory_space<vmem>>, vector<16xf32>,
    %get3A_292 = arith.constant 176 : index
    %get3A_293 = tpu.vector_load %arg10[%get3A_292] {strides = array<i32>} : memref<512xf32, #tpu.memory_space<vmem>>, vector<16xf32>,
    %get3A_294 = arith.constant 176 : index
    %get3A_295 = tpu.vector_load %arg11[%get3A_294] {strides = array<i32>} : memref<512xf32, #tpu.memory_space<vmem>>, vector<16xf32>,
    %add3A_296 = arith.addf %get3A_293, %get3A_295 : vector<16xf32>
    %add3A_297 = arith.addf %add3A_296, %get3A_97 : vector<16xf32>
    %neg3A_298 = arith.constant 0.000000e+00 : f32
    %neg3A_299 = vector.broadcast %neg3A_298 : f32 to vector<16xf32>
    %neg3A_300 = arith.subf %neg3A_299, %add3A_297 : vector<16xf32>
    %exp3A_301 = math.exp %neg3A_300 : vector<16xf32>
    %add3A_302 = arith.constant 1.000000e+00 : f32
    %add3A_303 = vector.broadcast %add3A_302 : f32 to vector<16xf32>
    %add3A_304 = arith.addf %add3A_303, %exp3A_301 : vector<16xf32>
    %div3A_305 = arith.constant 1.000000e+00 : f32
    %div3A_306 = vector.broadcast %div3A_305 : f32 to vector<16xf32>
    %div3A_307 = arith.divf %div3A_306, %add3A_304 : vector<16xf32>
    %swap3A_308 = arith.constant 176 : index
    %swap3A_309 = tpu.vector_load %arg13[%swap3A_308] {strides = array<i32>} : memref<512xf32, #tpu.memory_space<vmem>>, vector<16xf32>,
    tpu.vector_store %arg13[%swap3A_308], %div3A_307 {strides = array<i32>} : memref<512xf32, #tpu.memory_space<vmem>>, vector<16xf32>,
    %get3A_310 = arith.constant 192 : index
    %get3A_311 = tpu.vector_load %arg10[%get3A_310] {strides = array<i32>} : memref<512xf32, #tpu.memory_space<vmem>>, vector<16xf32>,
    %get3A_312 = arith.constant 192 : index
    %get3A_313 = tpu.vector_load %arg11[%get3A_312] {strides = array<i32>} : memref<512xf32, #tpu.memory_space<vmem>>, vector<16xf32>,
    %add3A_314 = arith.addf %get3A_311, %get3A_313 : vector<16xf32>
    %add3A_315 = arith.addf %add3A_314, %get3A_97 : vector<16xf32>
    %neg3A_316 = arith.constant 0.000000e+00 : f32
    %neg3A_317 = vector.broadcast %neg3A_316 : f32 to vector<16xf32>
    %neg3A_318 = arith.subf %neg3A_317, %add3A_315 : vector<16xf32>
    %exp3A_319 = math.exp %neg3A_318 : vector<16xf32>
    %add3A_320 = arith.constant 1.000000e+00 : f32
    %add3A_321 = vector.broadcast %add3A_320 : f32 to vector<16xf32>
    %add3A_322 = arith.addf %add3A_321, %exp3A_319 : vector<16xf32>
    %div3A_323 = arith.constant 1.000000e+00 : f32
    %div3A_324 = vector.broadcast %div3A_323 : f32 to vector<16xf32>
    %div3A_325 = arith.divf %div3A_324, %add3A_322 : vector<16xf32>
    %swap3A_326 = arith.constant 192 : index
    %swap3A_327 = tpu.vector_load %arg13[%swap3A_326] {strides = array<i32>} : memref<512xf32, #tpu.memory_space<vmem>>, vector<16xf32>,
    tpu.vector_store %arg13[%swap3A_326], %div3A_325 {strides = array<i32>} : memref<512xf32, #tpu.memory_space<vmem>>, vector<16xf32>,
    %get3A_328 = arith.constant 208 : index
    %get3A_329 = tpu.vector_load %arg10[%get3A_328] {strides = array<i32>} : memref<512xf32, #tpu.memory_space<vmem>>, vector<16xf32>,
    %get3A_330 = arith.constant 208 : index
    %get3A_331 = tpu.vector_load %arg11[%get3A_330] {strides = array<i32>} : memref<512xf32, #tpu.memory_space<vmem>>, vector<16xf32>,
    %add3A_332 = arith.addf %get3A_329, %get3A_331 : vector<16xf32>
    %add3A_333 = arith.addf %add3A_332, %get3A_97 : vector<16xf32>
    %neg3A_334 = arith.constant 0.000000e+00 : f32
    %neg3A_335 = vector.broadcast %neg3A_334 : f32 to vector<16xf32>
    %neg3A_336 = arith.subf %neg3A_335, %add3A_333 : vector<16xf32>
    %exp3A_337 = math.exp %neg3A_336 : vector<16xf32>
    %add3A_338 = arith.constant 1.000000e+00 : f32
    %add3A_339 = vector.broadcast %add3A_338 : f32 to vector<16xf32>
    %add3A_340 = arith.addf %add3A_339, %exp3A_337 : vector<16xf32>
    %div3A_341 = arith.constant 1.000000e+00 : f32
    %div3A_342 = vector.broadcast %div3A_341 : f32 to vector<16xf32>
    %div3A_343 = arith.divf %div3A_342, %add3A_340 : vector<16xf32>
    %swap3A_344 = arith.constant 208 : index
    %swap3A_345 = tpu.vector_load %arg13[%swap3A_344] {strides = array<i32>} : memref<512xf32, #tpu.memory_space<vmem>>, vector<16xf32>,
    tpu.vector_store %arg13[%swap3A_344], %div3A_343 {strides = array<i32>} : memref<512xf32, #tpu.memory_space<vmem>>, vector<16xf32>,
    %get3A_346 = arith.constant 224 : index
    %get3A_347 = tpu.vector_load %arg10[%get3A_346] {strides = array<i32>} : memref<512xf32, #tpu.memory_space<vmem>>, vector<16xf32>,
    %get3A_348 = arith.constant 224 : index
    %get3A_349 = tpu.vector_load %arg11[%get3A_348] {strides = array<i32>} : memref<512xf32, #tpu.memory_space<vmem>>, vector<16xf32>,
    %add3A_350 = arith.addf %get3A_347, %get3A_349 : vector<16xf32>
    %add3A_351 = arith.addf %add3A_350, %get3A_97 : vector<16xf32>
    %neg3A_352 = arith.constant 0.000000e+00 : f32
    %neg3A_353 = vector.broadcast %neg3A_352 : f32 to vector<16xf32>
    %neg3A_354 = arith.subf %neg3A_353, %add3A_351 : vector<16xf32>
    %exp3A_355 = math.exp %neg3A_354 : vector<16xf32>
    %add3A_356 = arith.constant 1.000000e+00 : f32
    %add3A_357 = vector.broadcast %add3A_356 : f32 to vector<16xf32>
    %add3A_358 = arith.addf %add3A_357, %exp3A_355 : vector<16xf32>
    %div3A_359 = arith.constant 1.000000e+00 : f32
    %div3A_360 = vector.broadcast %div3A_359 : f32 to vector<16xf32>
    %div3A_361 = arith.divf %div3A_360, %add3A_358 : vector<16xf32>
    %swap3A_362 = arith.constant 224 : index
    %swap3A_363 = tpu.vector_load %arg13[%swap3A_362] {strides = array<i32>} : memref<512xf32, #tpu.memory_space<vmem>>, vector<16xf32>,
    tpu.vector_store %arg13[%swap3A_362], %div3A_361 {strides = array<i32>} : memref<512xf32, #tpu.memory_space<vmem>>, vector<16xf32>,
    %get3A_364 = arith.constant 240 : index
    %get3A_365 = tpu.vector_load %arg10[%get3A_364] {strides = array<i32>} : memref<512xf32, #tpu.memory_space<vmem>>, vector<16xf32>,
    %get3A_366 = arith.constant 240 : index
    %get3A_367 = tpu.vector_load %arg11[%get3A_366] {strides = array<i32>} : memref<512xf32, #tpu.memory_space<vmem>>, vector<16xf32>,
    %add3A_368 = arith.addf %get3A_365, %get3A_367 : vector<16xf32>
    %add3A_369 = arith.addf %add3A_368, %get3A_97 : vector<16xf32>
    %neg3A_370 = arith.constant 0.000000e+00 : f32
    %neg3A_371 = vector.broadcast %neg3A_370 : f32 to vector<16xf32>
    %neg3A_372 = arith.subf %neg3A_371, %add3A_369 : vector<16xf32>
    %exp3A_373 = math.exp %neg3A_372 : vector<16xf32>
    %add3A_374 = arith.constant 1.000000e+00 : f32
    %add3A_375 = vector.broadcast %add3A_374 : f32 to vector<16xf32>
    %add3A_376 = arith.addf %add3A_375, %exp3A_373 : vector<16xf32>
    %div3A_377 = arith.constant 1.000000e+00 : f32
    %div3A_378 = vector.broadcast %div3A_377 : f32 to vector<16xf32>
    %div3A_379 = arith.divf %div3A_378, %add3A_376 : vector<16xf32>
    %swap3A_380 = arith.constant 240 : index
    %swap3A_381 = tpu.vector_load %arg13[%swap3A_380] {strides = array<i32>} : memref<512xf32, #tpu.memory_space<vmem>>, vector<16xf32>,
    tpu.vector_store %arg13[%swap3A_380], %div3A_379 {strides = array<i32>} : memref<512xf32, #tpu.memory_space<vmem>>, vector<16xf32>,
    %get3A_382 = arith.constant 256 : index
    %get3A_383 = tpu.vector_load %arg10[%get3A_382] {strides = array<i32>} : memref<512xf32, #tpu.memory_space<vmem>>, vector<16xf32>,
    %get3A_384 = arith.constant 256 : index
    %get3A_385 = tpu.vector_load %arg11[%get3A_384] {strides = array<i32>} : memref<512xf32, #tpu.memory_space<vmem>>, vector<16xf32>,
    %add3A_386 = arith.addf %get3A_383, %get3A_385 : vector<16xf32>
    %add3A_387 = arith.addf %add3A_386, %get3A_97 : vector<16xf32>
    %neg3A_388 = arith.constant 0.000000e+00 : f32
    %neg3A_389 = vector.broadcast %neg3A_388 : f32 to vector<16xf32>
    %neg3A_390 = arith.subf %neg3A_389, %add3A_387 : vector<16xf32>
    %exp3A_391 = math.exp %neg3A_390 : vector<16xf32>
    %add3A_392 = arith.constant 1.000000e+00 : f32
    %add3A_393 = vector.broadcast %add3A_392 : f32 to vector<16xf32>
    %add3A_394 = arith.addf %add3A_393, %exp3A_391 : vector<16xf32>
    %div3A_395 = arith.constant 1.000000e+00 : f32
    %div3A_396 = vector.broadcast %div3A_395 : f32 to vector<16xf32>
    %div3A_397 = arith.divf %div3A_396, %add3A_394 : vector<16xf32>
    %swap3A_398 = arith.constant 256 : index
    %swap3A_399 = tpu.vector_load %arg13[%swap3A_398] {strides = array<i32>} : memref<512xf32, #tpu.memory_space<vmem>>, vector<16xf32>,
    tpu.vector_store %arg13[%swap3A_398], %div3A_397 {strides = array<i32>} : memref<512xf32, #tpu.memory_space<vmem>>, vector<16xf32>,
    %get3A_400 = arith.constant 272 : index
    %get3A_401 = tpu.vector_load %arg10[%get3A_400] {strides = array<i32>} : memref<512xf32, #tpu.memory_space<vmem>>, vector<16xf32>,
    %get3A_402 = arith.constant 272 : index
    %get3A_403 = tpu.vector_load %arg11[%get3A_402] {strides = array<i32>} : memref<512xf32, #tpu.memory_space<vmem>>, vector<16xf32>,
    %add3A_404 = arith.addf %get3A_401, %get3A_403 : vector<16xf32>
    %add3A_405 = arith.addf %add3A_404, %get3A_97 : vector<16xf32>
    %neg3A_406 = arith.constant 0.000000e+00 : f32
    %neg3A_407 = vector.broadcast %neg3A_406 : f32 to vector<16xf32>
    %neg3A_408 = arith.subf %neg3A_407, %add3A_405 : vector<16xf32>
    %exp3A_409 = math.exp %neg3A_408 : vector<16xf32>
    %add3A_410 = arith.constant 1.000000e+00 : f32
    %add3A_411 = vector.broadcast %add3A_410 : f32 to vector<16xf32>
    %add3A_412 = arith.addf %add3A_411, %exp3A_409 : vector<16xf32>
    %div3A_413 = arith.constant 1.000000e+00 : f32
    %div3A_414 = vector.broadcast %div3A_413 : f32 to vector<16xf32>
    %div3A_415 = arith.divf %div3A_414, %add3A_412 : vector<16xf32>
    %swap3A_416 = arith.constant 272 : index
    %swap3A_417 = tpu.vector_load %arg13[%swap3A_416] {strides = array<i32>} : memref<512xf32, #tpu.memory_space<vmem>>, vector<16xf32>,
    tpu.vector_store %arg13[%swap3A_416], %div3A_415 {strides = array<i32>} : memref<512xf32, #tpu.memory_space<vmem>>, vector<16xf32>,
    %get3A_418 = arith.constant 288 : index
    %get3A_419 = tpu.vector_load %arg10[%get3A_418] {strides = array<i32>} : memref<512xf32, #tpu.memory_space<vmem>>, vector<16xf32>,
    %get3A_420 = arith.constant 288 : index
    %get3A_421 = tpu.vector_load %arg11[%get3A_420] {strides = array<i32>} : memref<512xf32, #tpu.memory_space<vmem>>, vector<16xf32>,
    %add3A_422 = arith.addf %get3A_419, %get3A_421 : vector<16xf32>
    %add3A_423 = arith.addf %add3A_422, %get3A_97 : vector<16xf32>
    %neg3A_424 = arith.constant 0.000000e+00 : f32
    %neg3A_425 = vector.broadcast %neg3A_424 : f32 to vector<16xf32>
    %neg3A_426 = arith.subf %neg3A_425, %add3A_423 : vector<16xf32>
    %exp3A_427 = math.exp %neg3A_426 : vector<16xf32>
    %add3A_428 = arith.constant 1.000000e+00 : f32
    %add3A_429 = vector.broadcast %add3A_428 : f32 to vector<16xf32>
    %add3A_430 = arith.addf %add3A_429, %exp3A_427 : vector<16xf32>
    %div3A_431 = arith.constant 1.000000e+00 : f32
    %div3A_432 = vector.broadcast %div3A_431 : f32 to vector<16xf32>
    %div3A_433 = arith.divf %div3A_432, %add3A_430 : vector<16xf32>
    %swap3A_434 = arith.constant 288 : index
    %swap3A_435 = tpu.vector_load %arg13[%swap3A_434] {strides = array<i32>} : memref<512xf32, #tpu.memory_space<vmem>>, vector<16xf32>,
    tpu.vector_store %arg13[%swap3A_434], %div3A_433 {strides = array<i32>} : memref<512xf32, #tpu.memory_space<vmem>>, vector<16xf32>,
    %get3A_436 = arith.constant 304 : index
    %get3A_437 = tpu.vector_load %arg10[%get3A_436] {strides = array<i32>} : memref<512xf32, #tpu.memory_space<vmem>>, vector<16xf32>,
    %get3A_438 = arith.constant 304 : index
    %get3A_439 = tpu.vector_load %arg11[%get3A_438] {strides = array<i32>} : memref<512xf32, #tpu.memory_space<vmem>>, vector<16xf32>,
    %add3A_440 = arith.addf %get3A_437, %get3A_439 : vector<16xf32>
    %add3A_441 = arith.addf %add3A_440, %get3A_97 : vector<16xf32>
    %neg3A_442 = arith.constant 0.000000e+00 : f32
    %neg3A_443 = vector.broadcast %neg3A_442 : f32 to vector<16xf32>
    %neg3A_444 = arith.subf %neg3A_443, %add3A_441 : vector<16xf32>
    %exp3A_445 = math.exp %neg3A_444 : vector<16xf32>
    %add3A_446 = arith.constant 1.000000e+00 : f32
    %add3A_447 = vector.broadcast %add3A_446 : f32 to vector<16xf32>
    %add3A_448 = arith.addf %add3A_447, %exp3A_445 : vector<16xf32>
    %div3A_449 = arith.constant 1.000000e+00 : f32
    %div3A_450 = vector.broadcast %div3A_449 : f32 to vector<16xf32>
    %div3A_451 = arith.divf %div3A_450, %add3A_448 : vector<16xf32>
    %swap3A_452 = arith.constant 304 : index
    %swap3A_453 = tpu.vector_load %arg13[%swap3A_452] {strides = array<i32>} : memref<512xf32, #tpu.memory_space<vmem>>, vector<16xf32>,
    tpu.vector_store %arg13[%swap3A_452], %div3A_451 {strides = array<i32>} : memref<512xf32, #tpu.memory_space<vmem>>, vector<16xf32>,
    %get3A_454 = arith.constant 320 : index
    %get3A_455 = tpu.vector_load %arg10[%get3A_454] {strides = array<i32>} : memref<512xf32, #tpu.memory_space<vmem>>, vector<16xf32>,
    %get3A_456 = arith.constant 320 : index
    %get3A_457 = tpu.vector_load %arg11[%get3A_456] {strides = array<i32>} : memref<512xf32, #tpu.memory_space<vmem>>, vector<16xf32>,
    %add3A_458 = arith.addf %get3A_455, %get3A_457 : vector<16xf32>
    %add3A_459 = arith.addf %add3A_458, %get3A_97 : vector<16xf32>
    %neg3A_460 = arith.constant 0.000000e+00 : f32
    %neg3A_461 = vector.broadcast %neg3A_460 : f32 to vector<16xf32>
    %neg3A_462 = arith.subf %neg3A_461, %add3A_459 : vector<16xf32>
    %exp3A_463 = math.exp %neg3A_462 : vector<16xf32>
    %add3A_464 = arith.constant 1.000000e+00 : f32
    %add3A_465 = vector.broadcast %add3A_464 : f32 to vector<16xf32>
    %add3A_466 = arith.addf %add3A_465, %exp3A_463 : vector<16xf32>
    %div3A_467 = arith.constant 1.000000e+00 : f32
    %div3A_468 = vector.broadcast %div3A_467 : f32 to vector<16xf32>
    %div3A_469 = arith.divf %div3A_468, %add3A_466 : vector<16xf32>
    %swap3A_470 = arith.constant 320 : index
    %swap3A_471 = tpu.vector_load %arg13[%swap3A_470] {strides = array<i32>} : memref<512xf32, #tpu.memory_space<vmem>>, vector<16xf32>,
    tpu.vector_store %arg13[%swap3A_470], %div3A_469 {strides = array<i32>} : memref<512xf32, #tpu.memory_space<vmem>>, vector<16xf32>,
    %get3A_472 = arith.constant 336 : index
    %get3A_473 = tpu.vector_load %arg10[%get3A_472] {strides = array<i32>} : memref<512xf32, #tpu.memory_space<vmem>>, vector<16xf32>,
    %get3A_474 = arith.constant 336 : index
    %get3A_475 = tpu.vector_load %arg11[%get3A_474] {strides = array<i32>} : memref<512xf32, #tpu.memory_space<vmem>>, vector<16xf32>,
    %add3A_476 = arith.addf %get3A_473, %get3A_475 : vector<16xf32>
    %add3A_477 = arith.addf %add3A_476, %get3A_97 : vector<16xf32>
    %neg3A_478 = arith.constant 0.000000e+00 : f32
    %neg3A_479 = vector.broadcast %neg3A_478 : f32 to vector<16xf32>
    %neg3A_480 = arith.subf %neg3A_479, %add3A_477 : vector<16xf32>
    %exp3A_481 = math.exp %neg3A_480 : vector<16xf32>
    %add3A_482 = arith.constant 1.000000e+00 : f32
    %add3A_483 = vector.broadcast %add3A_482 : f32 to vector<16xf32>
    %add3A_484 = arith.addf %add3A_483, %exp3A_481 : vector<16xf32>
    %div3A_485 = arith.constant 1.000000e+00 : f32
    %div3A_486 = vector.broadcast %div3A_485 : f32 to vector<16xf32>
    %div3A_487 = arith.divf %div3A_486, %add3A_484 : vector<16xf32>
    %swap3A_488 = arith.constant 336 : index
    %swap3A_489 = tpu.vector_load %arg13[%swap3A_488] {strides = array<i32>} : memref<512xf32, #tpu.memory_space<vmem>>, vector<16xf32>,
    tpu.vector_store %arg13[%swap3A_488], %div3A_487 {strides = array<i32>} : memref<512xf32, #tpu.memory_space<vmem>>, vector<16xf32>,
    %get3A_490 = arith.constant 352 : index
    %get3A_491 = tpu.vector_load %arg10[%get3A_490] {strides = array<i32>} : memref<512xf32, #tpu.memory_space<vmem>>, vector<16xf32>,
    %get3A_492 = arith.constant 352 : index
    %get3A_493 = tpu.vector_load %arg11[%get3A_492] {strides = array<i32>} : memref<512xf32, #tpu.memory_space<vmem>>, vector<16xf32>,
    %add3A_494 = arith.addf %get3A_491, %get3A_493 : vector<16xf32>
    %add3A_495 = arith.addf %add3A_494, %get3A_97 : vector<16xf32>
    %neg3A_496 = arith.constant 0.000000e+00 : f32
    %neg3A_497 = vector.broadcast %neg3A_496 : f32 to vector<16xf32>
    %neg3A_498 = arith.subf %neg3A_497, %add3A_495 : vector<16xf32>
    %exp3A_499 = math.exp %neg3A_498 : vector<16xf32>
    %add3A_500 = arith.constant 1.000000e+00 : f32
    %add3A_501 = vector.broadcast %add3A_500 : f32 to vector<16xf32>
    %add3A_502 = arith.addf %add3A_501, %exp3A_499 : vector<16xf32>
    %div3A_503 = arith.constant 1.000000e+00 : f32
    %div3A_504 = vector.broadcast %div3A_503 : f32 to vector<16xf32>
    %div3A_505 = arith.divf %div3A_504, %add3A_502 : vector<16xf32>
    %swap3A_506 = arith.constant 352 : index
    %swap3A_507 = tpu.vector_load %arg13[%swap3A_506] {strides = array<i32>} : memref<512xf32, #tpu.memory_space<vmem>>, vector<16xf32>,
    tpu.vector_store %arg13[%swap3A_506], %div3A_505 {strides = array<i32>} : memref<512xf32, #tpu.memory_space<vmem>>, vector<16xf32>,
    %get3A_508 = arith.constant 368 : index
    %get3A_509 = tpu.vector_load %arg10[%get3A_508] {strides = array<i32>} : memref<512xf32, #tpu.memory_space<vmem>>, vector<16xf32>,
    %get3A_510 = arith.constant 368 : index
    %get3A_511 = tpu.vector_load %arg11[%get3A_510] {strides = array<i32>} : memref<512xf32, #tpu.memory_space<vmem>>, vector<16xf32>,
    %add3A_512 = arith.addf %get3A_509, %get3A_511 : vector<16xf32>
    %add3A_513 = arith.addf %add3A_512, %get3A_97 : vector<16xf32>
    %neg3A_514 = arith.constant 0.000000e+00 : f32
    %neg3A_515 = vector.broadcast %neg3A_514 : f32 to vector<16xf32>
    %neg3A_516 = arith.subf %neg3A_515, %add3A_513 : vector<16xf32>
    %exp3A_517 = math.exp %neg3A_516 : vector<16xf32>
    %add3A_518 = arith.constant 1.000000e+00 : f32
    %add3A_519 = vector.broadcast %add3A_518 : f32 to vector<16xf32>
    %add3A_520 = arith.addf %add3A_519, %exp3A_517 : vector<16xf32>
    %div3A_521 = arith.constant 1.000000e+00 : f32
    %div3A_522 = vector.broadcast %div3A_521 : f32 to vector<16xf32>
    %div3A_523 = arith.divf %div3A_522, %add3A_520 : vector<16xf32>
    %swap3A_524 = arith.constant 368 : index
    %swap3A_525 = tpu.vector_load %arg13[%swap3A_524] {strides = array<i32>} : memref<512xf32, #tpu.memory_space<vmem>>, vector<16xf32>,
    tpu.vector_store %arg13[%swap3A_524], %div3A_523 {strides = array<i32>} : memref<512xf32, #tpu.memory_space<vmem>>, vector<16xf32>,
    %get3A_526 = arith.constant 384 : index
    %get3A_527 = tpu.vector_load %arg10[%get3A_526] {strides = array<i32>} : memref<512xf32, #tpu.memory_space<vmem>>, vector<16xf32>,
    %get3A_528 = arith.constant 384 : index
    %get3A_529 = tpu.vector_load %arg11[%get3A_528] {strides = array<i32>} : memref<512xf32, #tpu.memory_space<vmem>>, vector<16xf32>,
    %add3A_530 = arith.addf %get3A_527, %get3A_529 : vector<16xf32>
    %add3A_531 = arith.addf %add3A_530, %get3A_97 : vector<16xf32>
    %neg3A_532 = arith.constant 0.000000e+00 : f32
    %neg3A_533 = vector.broadcast %neg3A_532 : f32 to vector<16xf32>
    %neg3A_534 = arith.subf %neg3A_533, %add3A_531 : vector<16xf32>
    %exp3A_535 = math.exp %neg3A_534 : vector<16xf32>
    %add3A_536 = arith.constant 1.000000e+00 : f32
    %add3A_537 = vector.broadcast %add3A_536 : f32 to vector<16xf32>
    %add3A_538 = arith.addf %add3A_537, %exp3A_535 : vector<16xf32>
    %div3A_539 = arith.constant 1.000000e+00 : f32
    %div3A_540 = vector.broadcast %div3A_539 : f32 to vector<16xf32>
    %div3A_541 = arith.divf %div3A_540, %add3A_538 : vector<16xf32>
    %swap3A_542 = arith.constant 384 : index
    %swap3A_543 = tpu.vector_load %arg13[%swap3A_542] {strides = array<i32>} : memref<512xf32, #tpu.memory_space<vmem>>, vector<16xf32>,
    tpu.vector_store %arg13[%swap3A_542], %div3A_541 {strides = array<i32>} : memref<512xf32, #tpu.memory_space<vmem>>, vector<16xf32>,
    %get3A_544 = arith.constant 400 : index
    %get3A_545 = tpu.vector_load %arg10[%get3A_544] {strides = array<i32>} : memref<512xf32, #tpu.memory_space<vmem>>, vector<16xf32>,
    %get3A_546 = arith.constant 400 : index
    %get3A_547 = tpu.vector_load %arg11[%get3A_546] {strides = array<i32>} : memref<512xf32, #tpu.memory_space<vmem>>, vector<16xf32>,
    %add3A_548 = arith.addf %get3A_545, %get3A_547 : vector<16xf32>
    %add3A_549 = arith.addf %add3A_548, %get3A_97 : vector<16xf32>
    %neg3A_550 = arith.constant 0.000000e+00 : f32
    %neg3A_551 = vector.broadcast %neg3A_550 : f32 to vector<16xf32>
    %neg3A_552 = arith.subf %neg3A_551, %add3A_549 : vector<16xf32>
    %exp3A_553 = math.exp %neg3A_552 : vector<16xf32>
    %add3A_554 = arith.constant 1.000000e+00 : f32
    %add3A_555 = vector.broadcast %add3A_554 : f32 to vector<16xf32>
    %add3A_556 = arith.addf %add3A_555, %exp3A_553 : vector<16xf32>
    %div3A_557 = arith.constant 1.000000e+00 : f32
    %div3A_558 = vector.broadcast %div3A_557 : f32 to vector<16xf32>
    %div3A_559 = arith.divf %div3A_558, %add3A_556 : vector<16xf32>
    %swap3A_560 = arith.constant 400 : index
    %swap3A_561 = tpu.vector_load %arg13[%swap3A_560] {strides = array<i32>} : memref<512xf32, #tpu.memory_space<vmem>>, vector<16xf32>,
    tpu.vector_store %arg13[%swap3A_560], %div3A_559 {strides = array<i32>} : memref<512xf32, #tpu.memory_space<vmem>>, vector<16xf32>,
    %get3A_562 = arith.constant 416 : index
    %get3A_563 = tpu.vector_load %arg10[%get3A_562] {strides = array<i32>} : memref<512xf32, #tpu.memory_space<vmem>>, vector<16xf32>,
    %get3A_564 = arith.constant 416 : index
    %get3A_565 = tpu.vector_load %arg11[%get3A_564] {strides = array<i32>} : memref<512xf32, #tpu.memory_space<vmem>>, vector<16xf32>,
    %add3A_566 = arith.addf %get3A_563, %get3A_565 : vector<16xf32>
    %add3A_567 = arith.addf %add3A_566, %get3A_97 : vector<16xf32>
    %neg3A_568 = arith.constant 0.000000e+00 : f32
    %neg3A_569 = vector.broadcast %neg3A_568 : f32 to vector<16xf32>
    %neg3A_570 = arith.subf %neg3A_569, %add3A_567 : vector<16xf32>
    %exp3A_571 = math.exp %neg3A_570 : vector<16xf32>
    %add3A_572 = arith.constant 1.000000e+00 : f32
    %add3A_573 = vector.broadcast %add3A_572 : f32 to vector<16xf32>
    %add3A_574 = arith.addf %add3A_573, %exp3A_571 : vector<16xf32>
    %div3A_575 = arith.constant 1.000000e+00 : f32
    %div3A_576 = vector.broadcast %div3A_575 : f32 to vector<16xf32>
    %div3A_577 = arith.divf %div3A_576, %add3A_574 : vector<16xf32>
    %swap3A_578 = arith.constant 416 : index
    %swap3A_579 = tpu.vector_load %arg13[%swap3A_578] {strides = array<i32>} : memref<512xf32, #tpu.memory_space<vmem>>, vector<16xf32>,
    tpu.vector_store %arg13[%swap3A_578], %div3A_577 {strides = array<i32>} : memref<512xf32, #tpu.memory_space<vmem>>, vector<16xf32>,
    %get3A_580 = arith.constant 432 : index
    %get3A_581 = tpu.vector_load %arg10[%get3A_580] {strides = array<i32>} : memref<512xf32, #tpu.memory_space<vmem>>, vector<16xf32>,
    %get3A_582 = arith.constant 432 : index
    %get3A_583 = tpu.vector_load %arg11[%get3A_582] {strides = array<i32>} : memref<512xf32, #tpu.memory_space<vmem>>, vector<16xf32>,
    %add3A_584 = arith.addf %get3A_581, %get3A_583 : vector<16xf32>
    %add3A_585 = arith.addf %add3A_584, %get3A_97 : vector<16xf32>
    %neg3A_586 = arith.constant 0.000000e+00 : f32
    %neg3A_587 = vector.broadcast %neg3A_586 : f32 to vector<16xf32>
    %neg3A_588 = arith.subf %neg3A_587, %add3A_585 : vector<16xf32>
    %exp3A_589 = math.exp %neg3A_588 : vector<16xf32>
    %add3A_590 = arith.constant 1.000000e+00 : f32
    %add3A_591 = vector.broadcast %add3A_590 : f32 to vector<16xf32>
    %add3A_592 = arith.addf %add3A_591, %exp3A_589 : vector<16xf32>
    %div3A_593 = arith.constant 1.000000e+00 : f32
    %div3A_594 = vector.broadcast %div3A_593 : f32 to vector<16xf32>
    %div3A_595 = arith.divf %div3A_594, %add3A_592 : vector<16xf32>
    %swap3A_596 = arith.constant 432 : index
    %swap3A_597 = tpu.vector_load %arg13[%swap3A_596] {strides = array<i32>} : memref<512xf32, #tpu.memory_space<vmem>>, vector<16xf32>,
    tpu.vector_store %arg13[%swap3A_596], %div3A_595 {strides = array<i32>} : memref<512xf32, #tpu.memory_space<vmem>>, vector<16xf32>,
    %get3A_598 = arith.constant 448 : index
    %get3A_599 = tpu.vector_load %arg10[%get3A_598] {strides = array<i32>} : memref<512xf32, #tpu.memory_space<vmem>>, vector<16xf32>,
    %get3A_600 = arith.constant 448 : index
    %get3A_601 = tpu.vector_load %arg11[%get3A_600] {strides = array<i32>} : memref<512xf32, #tpu.memory_space<vmem>>, vector<16xf32>,
    %add3A_602 = arith.addf %get3A_599, %get3A_601 : vector<16xf32>
    %add3A_603 = arith.addf %add3A_602, %get3A_97 : vector<16xf32>
    %neg3A_604 = arith.constant 0.000000e+00 : f32
    %neg3A_605 = vector.broadcast %neg3A_604 : f32 to vector<16xf32>
    %neg3A_606 = arith.subf %neg3A_605, %add3A_603 : vector<16xf32>
    %exp3A_607 = math.exp %neg3A_606 : vector<16xf32>
    %add3A_608 = arith.constant 1.000000e+00 : f32
    %add3A_609 = vector.broadcast %add3A_608 : f32 to vector<16xf32>
    %add3A_610 = arith.addf %add3A_609, %exp3A_607 : vector<16xf32>
    %div3A_611 = arith.constant 1.000000e+00 : f32
    %div3A_612 = vector.broadcast %div3A_611 : f32 to vector<16xf32>
    %div3A_613 = arith.divf %div3A_612, %add3A_610 : vector<16xf32>
    %swap3A_614 = arith.constant 448 : index
    %swap3A_615 = tpu.vector_load %arg13[%swap3A_614] {strides = array<i32>} : memref<512xf32, #tpu.memory_space<vmem>>, vector<16xf32>,
    tpu.vector_store %arg13[%swap3A_614], %div3A_613 {strides = array<i32>} : memref<512xf32, #tpu.memory_space<vmem>>, vector<16xf32>,
    %get3A_616 = arith.constant 464 : index
    %get3A_617 = tpu.vector_load %arg10[%get3A_616] {strides = array<i32>} : memref<512xf32, #tpu.memory_space<vmem>>, vector<16xf32>,
    %get3A_618 = arith.constant 464 : index
    %get3A_619 = tpu.vector_load %arg11[%get3A_618] {strides = array<i32>} : memref<512xf32, #tpu.memory_space<vmem>>, vector<16xf32>,
    %add3A_620 = arith.addf %get3A_617, %get3A_619 : vector<16xf32>
    %add3A_621 = arith.addf %add3A_620, %get3A_97 : vector<16xf32>
    %neg3A_622 = arith.constant 0.000000e+00 : f32
    %neg3A_623 = vector.broadcast %neg3A_622 : f32 to vector<16xf32>
    %neg3A_624 = arith.subf %neg3A_623, %add3A_621 : vector<16xf32>
    %exp3A_625 = math.exp %neg3A_624 : vector<16xf32>
    %add3A_626 = arith.constant 1.000000e+00 : f32
    %add3A_627 = vector.broadcast %add3A_626 : f32 to vector<16xf32>
    %add3A_628 = arith.addf %add3A_627, %exp3A_625 : vector<16xf32>
    %div3A_629 = arith.constant 1.000000e+00 : f32
    %div3A_630 = vector.broadcast %div3A_629 : f32 to vector<16xf32>
    %div3A_631 = arith.divf %div3A_630, %add3A_628 : vector<16xf32>
    %swap3A_632 = arith.constant 464 : index
    %swap3A_633 = tpu.vector_load %arg13[%swap3A_632] {strides = array<i32>} : memref<512xf32, #tpu.memory_space<vmem>>, vector<16xf32>,
    tpu.vector_store %arg13[%swap3A_632], %div3A_631 {strides = array<i32>} : memref<512xf32, #tpu.memory_space<vmem>>, vector<16xf32>,
    %get3A_634 = arith.constant 480 : index
    %get3A_635 = tpu.vector_load %arg10[%get3A_634] {strides = array<i32>} : memref<512xf32, #tpu.memory_space<vmem>>, vector<16xf32>,
    %get3A_636 = arith.constant 480 : index
    %get3A_637 = tpu.vector_load %arg11[%get3A_636] {strides = array<i32>} : memref<512xf32, #tpu.memory_space<vmem>>, vector<16xf32>,
    %add3A_638 = arith.addf %get3A_635, %get3A_637 : vector<16xf32>
    %add3A_639 = arith.addf %add3A_638, %get3A_97 : vector<16xf32>
    %neg3A_640 = arith.constant 0.000000e+00 : f32
    %neg3A_641 = vector.broadcast %neg3A_640 : f32 to vector<16xf32>
    %neg3A_642 = arith.subf %neg3A_641, %add3A_639 : vector<16xf32>
    %exp3A_643 = math.exp %neg3A_642 : vector<16xf32>
    %add3A_644 = arith.constant 1.000000e+00 : f32
    %add3A_645 = vector.broadcast %add3A_644 : f32 to vector<16xf32>
    %add3A_646 = arith.addf %add3A_645, %exp3A_643 : vector<16xf32>
    %div3A_647 = arith.constant 1.000000e+00 : f32
    %div3A_648 = vector.broadcast %div3A_647 : f32 to vector<16xf32>
    %div3A_649 = arith.divf %div3A_648, %add3A_646 : vector<16xf32>
    %swap3A_650 = arith.constant 480 : index
    %swap3A_651 = tpu.vector_load %arg13[%swap3A_650] {strides = array<i32>} : memref<512xf32, #tpu.memory_space<vmem>>, vector<16xf32>,
    tpu.vector_store %arg13[%swap3A_650], %div3A_649 {strides = array<i32>} : memref<512xf32, #tpu.memory_space<vmem>>, vector<16xf32>,
    %get3A_652 = arith.constant 496 : index
    %get3A_653 = tpu.vector_load %arg10[%get3A_652] {strides = array<i32>} : memref<512xf32, #tpu.memory_space<vmem>>, vector<16xf32>,
    %get3A_654 = arith.constant 496 : index
    %get3A_655 = tpu.vector_load %arg11[%get3A_654] {strides = array<i32>} : memref<512xf32, #tpu.memory_space<vmem>>, vector<16xf32>,
    %add3A_656 = arith.addf %get3A_653, %get3A_655 : vector<16xf32>
    %add3A_657 = arith.addf %add3A_656, %get3A_97 : vector<16xf32>
    %neg3A_658 = arith.constant 0.000000e+00 : f32
    %neg3A_659 = vector.broadcast %neg3A_658 : f32 to vector<16xf32>
    %neg3A_660 = arith.subf %neg3A_659, %add3A_657 : vector<16xf32>
    %exp3A_661 = math.exp %neg3A_660 : vector<16xf32>
    %add3A_662 = arith.constant 1.000000e+00 : f32
    %add3A_663 = vector.broadcast %add3A_662 : f32 to vector<16xf32>
    %add3A_664 = arith.addf %add3A_663, %exp3A_661 : vector<16xf32>
    %div3A_665 = arith.constant 1.000000e+00 : f32
    %div3A_666 = vector.broadcast %div3A_665 : f32 to vector<16xf32>
    %div3A_667 = arith.divf %div3A_666, %add3A_664 : vector<16xf32>
    %swap3A_668 = arith.constant 496 : index
    %swap3A_669 = tpu.vector_load %arg13[%swap3A_668] {strides = array<i32>} : memref<512xf32, #tpu.memory_space<vmem>>, vector<16xf32>,
    tpu.vector_store %arg13[%swap3A_668], %div3A_667 {strides = array<i32>} : memref<512xf32, #tpu.memory_space<vmem>>, vector<16xf32>,
    "tpu.region"() ({
      %run_scoped3A = tpu.sem_alloc : memref<!tpu.dma_semaphore, #tpu.memory_space<semaphore_mem>>
      %dma_start3A_670 = tpu.memref_slice %arg7[%mul3A_2] : memref<16384xf32, #tpu.memory_space<hbm>> -> memref<512xf32, #tpu.memory_space<hbm>>
      %dma_start3A_671 = tpu.memref_slice %arg7[%mul3A_2] : memref<16384xf32, #tpu.memory_space<hbm>> -> memref<512xf32, #tpu.memory_space<hbm>>
      tpu.enqueue_dma source(%arg13 : memref<512xf32, #tpu.memory_space<vmem>>) target(%dma_start3A_671 : memref<512xf32, #tpu.memory_space<hbm>>) target_semaphore(%run_scoped3A : memref<!tpu.dma_semaphore, #tpu.memory_space<semaphore_mem>>)
      %dma_wait3A_672 = tpu.memref_slice %arg7[%mul3A_2] : memref<16384xf32, #tpu.memory_space<hbm>> -> memref<512xf32, #tpu.memory_space<hbm>>
      %dma_wait3A_673 = tpu.memref_slice %arg7[%mul3A_2] : memref<16384xf32, #tpu.memory_space<hbm>> -> memref<512xf32, #tpu.memory_space<hbm>>
      tpu.wait_dma2 semaphore(%run_scoped3A : memref<!tpu.dma_semaphore, #tpu.memory_space<semaphore_mem>>) src(%arg13 : memref<512xf32, #tpu.memory_space<vmem>>) dst(%dma_wait3A_673 : memref<512xf32, #tpu.memory_space<hbm>>)
      tpu.yield
    }) : () -> ()
    return
  }
}

module attributes {stable_mosaic.version = 14 : i64} {
  func.func @_matvec_body(%arg0: i32, %arg1: memref<64x32768xf32, #tpu.memory_space<vmem>>, %arg2: memref<8x64xf32, #tpu.memory_space<vmem>>, %arg3: memref<32768xf32, #tpu.memory_space<vmem>>, %arg4: memref<32768xf32, #tpu.memory_space<vmem>>) attributes {dimension_semantics = [#tpu.dimension_semantics<arbitrary>], iteration_bounds = array<i64: 31>, scalar_prefetch = 0 : i64, scratch_operands = 0 : i64, tpu.core_type = #tpu.core_type<tc>, window_params = [{transform_indices = @transform_0, window_bounds = array<i64: 64, 32768>}, {pipeline_mode = #tpu.pipeline_mode<synchronous>, transform_indices = @transform_1, window_bounds = array<i64: 8, 64>}, {transform_indices = @transform_2, window_bounds = array<i64: 32768>}, {transform_indices = @transform_3, window_bounds = array<i64: 32768>}]} {
    %get3A = arith.constant 0 : index
    %get3A_0 = arith.constant 0 : index
    %get3A_1 = vector.load %arg2[%get3A, %get3A_0] : memref<8x64xf32, #tpu.memory_space<vmem>>, vector<8x64xf32>
    %get3A_2 = arith.constant 0 : index
    %get3A_3 = arith.constant 0 : index
    %get3A_4 = vector.load %arg1[%get3A_2, %get3A_3] : memref<64x32768xf32, #tpu.memory_space<vmem>>, vector<64x32768xf32>
    %dot_general3A = arith.constant dense<0.000000e+00> : vector<8x32768xf32>
    %dot_general3A_5 = tpu.matmul %get3A_1, %get3A_4, %dot_general3A {dimension_numbers = #tpu.dot_dimension_numbers<[1], [0], [0], [1], [0, 0, 1, 1], [], []>, transpose_lhs_hint = false} : vector<8x64xf32>, vector<64x32768xf32>, vector<8x32768xf32> -> vector<8x32768xf32>
    %slice3A = vector.extract_strided_slice %dot_general3A_5 {offsets = [0, 0], sizes = [1, 32768], strides = [1, 1]} : vector<8x32768xf32> to vector<1x32768xf32>
    %squeeze3A = vector.shape_cast %slice3A : vector<1x32768xf32> to vector<32768xf32>
    %swap3A = arith.constant 0 : index
    %swap3A_6 = vector.load %arg3[%swap3A] : memref<32768xf32, #tpu.memory_space<vmem>>, vector<32768xf32>
    tpu.vector_store %arg3[%swap3A], %squeeze3A {strides = array<i32>} : memref<32768xf32, #tpu.memory_space<vmem>>, vector<32768xf32>,
    %slice3A_7 = vector.extract_strided_slice %dot_general3A_5 {offsets = [1, 0], sizes = [1, 32768], strides = [1, 1]} : vector<8x32768xf32> to vector<1x32768xf32>
    %squeeze3A_8 = vector.shape_cast %slice3A_7 : vector<1x32768xf32> to vector<32768xf32>
    %swap3A_9 = arith.constant 0 : index
    %swap3A_10 = vector.load %arg4[%swap3A_9] : memref<32768xf32, #tpu.memory_space<vmem>>, vector<32768xf32>
    tpu.vector_store %arg4[%swap3A_9], %squeeze3A_8 {strides = array<i32>} : memref<32768xf32, #tpu.memory_space<vmem>>, vector<32768xf32>,
    return
  }
  func.func @transform_0(%arg0: i32) -> (i32, i32) {
    %c0_i32 = arith.constant 0 : i32
    %c0_i32_0 = arith.constant 0 : i32
    return %c0_i32, %arg0 : i32, i32
  }
  func.func @transform_1(%arg0: i32) -> (i32, i32) {
    %c0_i32 = arith.constant 0 : i32
    %c0_i32_0 = arith.constant 0 : i32
    %c0_i32_1 = arith.constant 0 : i32
    return %c0_i32, %c0_i32_0 : i32, i32
  }
  func.func @transform_2(%arg0: i32) -> i32 {
    %c0_i32 = arith.constant 0 : i32
    return %arg0 : i32
  }
  func.func @transform_3(%arg0: i32) -> i32 {
    %c0_i32 = arith.constant 0 : i32
    return %arg0 : i32
  }
}

</mosaic_0001>

<sc_bundles>
// kernel: kernel.4.cloned.1.call-start
scs
__scs_entry_jumppad:
0x0: {  	(pc) =	sbr.rel $0x88, $3  }
0x1: {  	(tag) =	ssettag $0x0;
	lr =	simm.s32 $0x1  }
0x2: {  	[smem:$0x3F9D] =	sst lr;
	_ =	strace $0xD0000000  }
0x3: {  	_ = 	snop  }
0x4: {  	_ = 	snop  }
0x5: {  	_ = 	snop  }
0x6: {  	_ = 	snop  }
0x7: {  	_ = 	snop  }
__scs_overlays_trampoline_lowered:
0x8: {  	[smem:$0x3FAC] =	sst s0  }
0x9: {  	[smem:$0x3FAD] =	sst s1  }
0xa: {  	[smem:$0x3FAE] =	sst s2  }
0xb: {  	[smem:$0x3FAF] =	sst s3  }
0xc: {  	[smem:$0x3FB0] =	sst s4  }
0xd: {  	[smem:$0x3FB1] =	sst s5  }
0xe: {  	[smem:$0x3FB2] =	sst s6  }
0xf: {  	[smem:$0x3FB3] =	sst s7  }
0x10: {  	[smem:$0x3FB4] =	sst s8  }
0x11: {  	[smem:$0x3FB5] =	sst s9;
	s0 =	simm.s32 @!p0 $0x0  }
0x12: {  	s1 =	sld [smem:$0x3F9B];
	s0 =	simm.s32 @p0 $0x1  }
0x13: {  	[smem:$0x3FB6] =	sst s0;
	s0 =	simm.s32 @!p1 $0x0  }
0x14: {  	s2 =	sld [smem:$0x3F9A];
	s0 =	simm.s32 @p1 $0x1  }
0x15: {  	[smem:$0x3FB7] =	sst s0;
	s0 =	simm.s32 @!p2 $0x0  }
0x16: {  	s3 =	sld [smem:$0x3FDB];
	s0 =	simm.s32 @p2 $0x1  }
0x17: {  	s4 =	simm.s32 $0x1BF5;
	[smem:$0x3FB9] =	sst s0  }
0x18: {  	s0 =	sld [smem:$0x3F9C];
	_ =	swait.ge [sflag:s4], $0x0  }
0x19: {  	s7 =	sld [smem:$0x3F9D]  }
0x1a: {  	s8 =	sadd.s32 $0xFFFFE003, lr  }
0x1b: {  	s9 =	sadd.s32 $0xFFFFFEF7, lr;
	s5 =	simm.s32 $0xFFFFFFFF;
	p2 =	slt.u32 s8, $0xFFFFF086  }
0x1c: {  	p1 =	slt.u32 s9, $0xF7A;
	s5 =	simm.s32 @!p2 $0x0  }
0x1d: {  	s5 =	simm.s32 @p1 $0x1;
	p0 =	seq.s32 s7, s2  }
0x1e: {  	s7 =	smul.u32 @!p0 $0xF7A, s2;
	p2 =	seq.s32 @!p0 s5, $0x0  }
0x1f: {  	s9 =	smul.u32 $0xF7A, s1;
	s8 =	simm.s32 @!p0 $0x1BF5;
	p2 =	por !p2, p0  }
0x20: {  	[sflag:s8] =	ssyncset.s32 @!p0 $0xFFFFF086;
	s6 =	sadd.s32 @!p0 s3, s7;
	s7 =	simm.s32 @!p0 $0x108  }
0x21: {  	s3 =	sadd.s32 s3, s9;
	s6 =	sadd.s32 @!p0 $0x88, s6;
	s7 =	simm.s32 @p2 $0x1082  }
0x22: {  	[simem:s7], [sflag:s8] =	dma.local @!p0 [hbm:s6], $0xF7A  }
0x23: {  	s9 =	sor.u32 $0xD0000000, s2;
	s6 =	simm.s32 $0x108;
	_ =	swait.ge @!p0 [sflag:s8], $0x0  }
0x24: {  	s3 =	sadd.s32 $0x88, s3;
	s6 =	simm.s32 @!p1 $0x1082;
	[sflag:s4] =	ssyncset.s32 $0xFFFFF086  }
0x25: {  	[simem:s6], [sflag:s4] =	dma.local [hbm:s3], $0xF7A  }
0x26: {  	[smem:$0x3F9D] =	sst s1;
	(tag) =	ssettag s2;
	_ =	strace s9  }
0x27: {  	s1 =	sld [smem:$0x3FAD]  }
0x28: {  	s2 =	sld [smem:$0x3FAE]  }
0x29: {  	s4 =	sld [smem:$0x3FB0]  }
0x2a: {  	p0 =	seq.s32 s5, $0x0;
	s5 =	sld [smem:$0x3FB1]  }
0x2b: {  	s6 =	sld [smem:$0x3FB2]  }
0x2c: {  	s7 =	sld [smem:$0x3FB3]  }
0x2d: {  	s3 =	simm.s32 $0x108;
	s8 =	sld [smem:$0x3FB4]  }
0x2e: {  	s3 =	simm.s32 @!p0 $0x1082;
	s9 =	sld [smem:$0x3FB5]  }
0x2f: {  	lr =	sadd.s32 s0, s3;
	s0 =	sld [smem:$0x3FAC]  }
0x30: {  	s3 =	sld [smem:$0x3FAF]  }
0x31: {  	[smem:$0x3FB8] =	sst s10  }
0x32: {  	s10 =	sld [smem:$0x3FB6];
	_ =	sdelay $0x3  }
0x33: {  	p0 =	seq.s32 s10, $0x1;
	s10 =	sld [smem:$0x3FB8];
	_ =	sdelay $0x3  }
0x34: {  	[smem:$0x3FB8] =	sst s10  }
0x35: {  	s10 =	sld [smem:$0x3FB7];
	_ =	sdelay $0x3  }
0x36: {  	p1 =	seq.s32 s10, $0x1;
	s10 =	sld [smem:$0x3FB8];
	_ =	sdelay $0x3  }
0x37: {  	[smem:$0x3FB8] =	sst s10  }
0x38: {  	s10 =	sld [smem:$0x3FB9]  }
0x39: {  	_ = 	snop;
	(pc) =	sbr.ind lr, $3  }
0x3a: {  	_ = 	snop  }
0x3b: {  	_ = 	snop  }
0x3c: {  	p2 =	seq.s32 s10, $0x1;
	s10 =	sld [smem:$0x3FB8]  }
0x3d: {  	_ =	shalt  }
0x3e: {  	_ =	shalt  }
0x3f: {  	_ =	shalt  }
0x40: {  	_ =	shalt  }
0x41: {  	_ =	shalt  }
0x42: {  	_ =	shalt  }
0x43: {  	_ =	shalt  }
0x44: {  	_ =	shalt  }
0x45: {  	_ =	shalt  }
0x46: {  	_ =	shalt  }
0x47: {  	_ =	shalt  }
0x48: {  	_ =	shalt  }
0x49: {  	_ =	shalt  }
0x4a: {  	_ =	shalt  }
0x4b: {  	_ =	shalt  }
0x4c: {  	_ =	shalt  }
0x4d: {  	_ =	shalt  }
0x4e: {  	_ =	shalt  }
0x4f: {  	_ =	shalt  }
0x50: {  	_ =	shalt  }
0x51: {  	_ =	shalt  }
0x52: {  	_ =	shalt  }
0x53: {  	_ =	shalt  }
0x54: {  	_ =	shalt  }
0x55: {  	_ =	shalt  }
0x56: {  	_ =	shalt  }
0x57: {  	_ =	shalt  }
0x58: {  	_ =	shalt  }
0x59: {  	_ =	shalt  }
0x5a: {  	_ =	shalt  }
0x5b: {  	_ =	shalt  }
0x5c: {  	_ =	shalt  }
0x5d: {  	_ =	shalt  }
0x5e: {  	_ =	shalt  }
0x5f: {  	_ =	shalt  }
0x60: {  	_ =	shalt  }
0x61: {  	_ =	shalt  }
0x62: {  	_ =	shalt  }
0x63: {  	_ =	shalt  }
0x64: {  	_ =	shalt  }
0x65: {  	_ =	shalt  }
0x66: {  	_ =	shalt  }
0x67: {  	_ =	shalt  }
0x68: {  	_ =	shalt  }
0x69: {  	_ =	shalt  }
0x6a: {  	_ =	shalt  }
0x6b: {  	_ =	shalt  }
0x6c: {  	_ =	shalt  }
0x6d: {  	_ =	shalt  }
0x6e: {  	_ =	shalt  }
0x6f: {  	_ =	shalt  }
0x70: {  	_ =	shalt  }
0x71: {  	_ =	shalt  }
0x72: {  	_ =	shalt  }
0x73: {  	_ =	shalt  }
0x74: {  	_ =	shalt  }
0x75: {  	_ =	shalt  }
0x76: {  	_ =	shalt  }
0x77: {  	_ =	shalt  }
0x78: {  	_ =	shalt  }
0x79: {  	_ =	shalt  }
0x7a: {  	_ =	shalt  }
0x7b: {  	_ =	shalt  }
0x7c: {  	_ =	shalt  }
0x7d: {  	_ =	shalt  }
0x7e: {  	_ =	shalt  }
0x7f: {  	_ =	shalt  }
0x80: {  	_ =	shalt  }
0x81: {  	_ =	shalt  }
0x82: {  	_ =	shalt  }
0x83: {  	_ =	shalt  }
0x84: {  	_ =	shalt  }
0x85: {  	_ =	shalt  }
0x86: {  	_ =	shalt  }
0x87: {  	_ =	shalt  }
.Lfunc_end0:
.L_simem_size_0:
called_computation_lowered:
.L_overlay_start_0:
0x88: {  	s2 =	sld [smem:$0x3FD9]  }
0x89: {  	s3 =	sld [smem:$0x3FFE];
	_ =	sdelay $0x1  }
0x8a: {  	s1 =	srdreg.scid  }
0x8b: {  	s0 =	sand.u32 $0x1, s1  }
0x8c: {  	s17 =	sshll.u32 s0, $0xA;
	s2 =	sadd.s32 s3, s2  }
0x8d: {  	s2 =	sadd.s32 s2, s17  }
0x8e: {  	[smem:$0x3FC4] =	sst s2  }
0x8f: {  	_ = 	snop  }
0x90: {  	s2 =	sld [smem:$0x3FD0];
	(tm) =	ssettm $0x1  }
0x91: {  	s18 =	sld [smem:$0x3FFB];
	_ =	sdelay $0x3  }
0x92: {  	_ =	strace s18  }
0x93: {  	s3 =	sld [smem:$0x3FFC];
	_ =	sdelay $0x3  }
0x94: {  	_ =	strace s3  }
0x95: {  	s3 =	sld [smem:$0x3FFD];
	_ =	sdelay $0x3  }
0x96: {  	_ =	strace s3  }
0x97: {  	_ =	strace $0x8FFFFFFF  }
0x98: {  	s19 =	sld [smem:$0x3FDB];
	_ =	sdelay $0x1  }
0x99: {  	s4 =	simm.s32 $_scs_section_size  }
0x9a: {  	s5 =	simm.s32 $_size__tile_overlayer_lowered;
	s6 =	simm.s32 $_tile_overlayer_lowered  }
0x9b: {  	s22 =	simm.s32 $0x1BFF;
	s21 =	sshll.u32 s6, $0x1;
	s3 =	sadd.s32 s4, s19  }
0x9c: {  	s7 =	simm.s32 $0x0;
	s20 =	sshll.u32 s5, $0x1;
	s5 =	sadd.s32 s21, s3  }
0x9d: {  	[timem:s7], [sflag:s22] =	dma.local [hbm:s5], s20  }
0x9e: {  	_ =	swait.ge [sflag:s22], s20  }
0x9f: {  	s4 =	ssub.s32 $0x0, s20;
	[sflag:s22] =	ssyncset.done $0x0  }
0xa0: {  	[sflag:s22] =	ssyncadd.s32 s4;
	_ =	sdelay $0x1  }
0xa1: {  	s23 =	simm.s32 $0x1B8B  }
0xa2: {  	_ =	swait.ge [sflag:s23], $0x1  }
0xa3: {  	[sflag:s23] =	ssyncset.done $0x0  }
0xa4: {  	s25 =	simm.s32 $0x1B8E;
	s24 =	sld [smem:$0x3FFE];
	[sflag:s23] =	ssyncadd.s32 $0xFFFFFFFF  }
0xa5: {  	s26 =	simm.s32 $execute0_lowered;
	[smem:$0x3FD2] =	sst s25  }
0xa6: {  	s5 =	sshll.u32 s26, $0x1;
	_ =	strace $0x80000046;
	[dreg:$0x1] =	wrdreg $0xFFFFFFFF  }
0xa7: {  	s28 =	simm.s32 $_size_execute0_lowered;
	s3 =	sadd.s32 s3, s5;
	[dreg:$0x0] =	wrdreg $0x0  }
0xa8: {  	s5 =	sshll.u32 s28, $0x1;
	[dreg:$0x2] =	wrdreg s3  }
0xa9: {  	[dreg:$0x3] =	wrdreg s5  }
0xaa: {  	[dreg:$0x4] =	wrdreg $0xC0  }
0xab: {  	_ =	task [dreg:s7], $0x5FFFF  }
0xac: {  	[dreg:$0x1] =	wrdreg $0xFFFFFFFF  }
0xad: {  	[dreg:$0x0] =	wrdreg $0x60  }
0xae: {  	[dreg:$0x2] =	wrdreg s24  }
0xaf: {  	[dreg:$0x3] =	wrdreg s2  }
0xb0: {  	[dreg:$0x4] =	wrdreg $0x9  }
0xb1: {  	_ =	task.clear_ibuf [dreg:s7], $0x5FFFF;
	_ =	strace $0x90000046  }
0xb2: {  	s29 =	simm.s32 $0x9;
	_ =	strace $0x80000048  }
0xb3: {  	_ =	swait.ge [sflag:s29], $0x1  }
0xb4: {  	[sflag:s29] =	ssyncadd.s32 $0xFFFFFFFF  }
0xb5: {  	_ =	strace $0x90000048  }
0xb6: {  	_ =	sfence  }
0xb7: {  	s30 =	sld [smem:$0x0];
	_ =	sdelay $0x2  }
0xb8: {  	s31 =	sshll.u32 s1, $0xD;
	s1 =	sshrl.u32 s1, $0x2  }
0xb9: {  	s3 =	sand.u32 $0x4000, s31;
	s1 =	sadd.s32 s1, s30  }
0xba: {  	s0 =	sor.u32 s3, s0;
	s1 =	sshll.u32 s1, $0x11  }
0xbb: {  	s0 =	sor.u32 s1, s0  }
0xbc: {  	s0 =	sadd.s32 $0x8F2B, s0  }
0xbd: {  	[sflag:s0] =	ssyncadd.remote.s32 $0x1  }
0xbe: {  	_ =	sfence.sel $0xFFFF  }
0xbf: {  	[dreg:$0x0] =	wrdreg $0xFFFFFFFF;
	(pc) =	sbr.abs _section_cstart, $3  }
0xc0: {  	[dreg:$0x1] =	wrdreg $0xFFFFFFFF  }
0xc1: {  	_ =	task.clear_ibuf [dreg:s7], $0x2FFFF;
	_ =	strace $0x9FFFFFFF  }
0xc2: {  	(tm) =	ssettm $0x7FFFFFFF  }
0xc3: {  	_ =	shalt  }
tec
execute0_lowered:
.L_overlay_start_1:
0x0: {  	(tag) =	ssettag $0x1  }
0x1: {  	s5 =	rddreg [dreg:$0x0]  }
0x2: {  	s8 =	rddreg [dreg:$0x1]  }
0x3: {  	s0 =	rddreg [dreg:$0x2]  }
0x4: {  	s2 =	simm.s32 $0x0;
	s3 =	srdreg.scid;
	s1 =	stileid.u32  }
0x5: {  	s11 =	simm.s32 $0x200;
	s12 =	simm.s32 $0x800;
	s13 =	simm.s32 $0x80  }
0x6: {  	s14 =	simm.s32 $0x400;
	s15 =	simm.s32 $0x600;
	s16 =	simm.s32 $0x480  }
0x7: {  	s17 =	simm.s32 $0x280;
	s18 =	simm.s32 $0x680;
	s19 =	simm.s32 $0x100  }
0x8: {  	s20 =	simm.s32 $0x500;
	s21 =	simm.s32 $0x300;
	s22 =	simm.s32 $0x700  }
0x9: {  	s23 =	simm.s32 $0x180;
	s24 =	simm.s32 $0x580;
	s25 =	simm.s32 $0x380  }
0xa: {  	s26 =	simm.s32 $0x780;
	s28 =	simm.s32 $0x1;
	s29 =	simm.s32 $0x810  }
0xb: {  	[smem:$0x7FF] =	sst s2;
	s6 =	sand.u32 $0x1, s3;
	s3 =	sadd.s32 $0x1E00, s5  }
0xc: {  	s7 =	sshll.u32 s1, $0x7;
	s4 =	sadd.s32 $0x20800, s5;
	s9 =	sshll.u32 s6, $0x6  }
0xd: {  	_ =	strace $0x80000047;
	s6 =	ssub.s32 $0x2, s6;
	s9 =	sor.u32 s9, s7  }
0xe: {  	s10 =	sshrl.u32 s6, $0x1;
	s7 =	sadd.s32 s9, s5;
	s5 =	sadd.s32 $0x3F200, s5  }
0xf: {  	s10 =	ssub.s32 s6, s10;
	s8 =	sadd.s32 s8, s9;
	s6 =	sadd.s32 $0x1600, s7  }
0x10: {  	s7 =	sadd.s32 $0xE00, s7;
	s9 =	smax.u32 s10, $0x1;
	s10 =	simm.s32 $0x2  }
.LBB2_1:
0x11: {  	[tilespmem:s2], [sflag:$0x2] =	stream.linear.gather [hbm4b:s6+s2], $0x200, $0x38;
	[tilespmem:$0xA10] =	vst v63  }
0x12: {  	_ =	swait.ge [sflag:s10], $0x200  }
0x13: {  	[sflag:s10] =	ssyncset.done $0x0  }
0x14: {  	[sflag:s10] =	ssyncadd.s32 $0xFFFFFE00  }
0x15: {  	[tilespmem:s11], [sflag:$0x2] =	stream.linear.gather [hbm4b:s7+s2], $0x200, $0x38;
	[tilespmem:$0xA10] =	vst v63  }
0x16: {  	_ =	swait.ge [sflag:s10], $0x200  }
0x17: {  	[sflag:s10] =	ssyncset.done $0x0  }
0x18: {  	[sflag:s10] =	ssyncadd.s32 $0xFFFFFE00  }
0x19: {  	[tilespmem:s12], [sflag:$0x2] =	stream.linear.gather [hbm4b:s5+s2], $0x10, $0x38;
	[tilespmem:$0xA10] =	vst v63  }
0x1a: {  	_ =	swait.ge [sflag:s10], $0x10  }
0x1b: {  	[sflag:s10] =	ssyncset.done $0x0  }
0x1c: {  	[sflag:s10] =	ssyncadd.s32 $0xFFFFFFF0  }
0x1d: {  	[tilespmem:s14], [sflag:$0x1] =	stream.indirect.gather [hbm4b:s3+s13], $0x1, s2, s13, $0xb8;
	[tilespmem:$0xA10] =	vst v63  }
0x1e: {  	_ = 	snop  }
0x1f: {  	[tilespmem:s15], [sflag:$0x1] =	stream.indirect.gather [hbm4b:s4+s13], $0x1, s11, s13, $0xb8;
	[tilespmem:$0xA10] =	vst v63  }
0x20: {  	_ = 	snop  }
0x21: {  	[tilespmem:s16], [sflag:$0x1] =	stream.indirect.gather [hbm4b:s3+s13], $0x1, s13, s13, $0xb8;
	[tilespmem:$0xA10] =	vst v63  }
0x22: {  	_ = 	snop  }
0x23: {  	[tilespmem:s18], [sflag:$0x1] =	stream.indirect.gather [hbm4b:s4+s13], $0x1, s17, s13, $0xb8;
	[tilespmem:$0xA10] =	vst v63  }
0x24: {  	_ = 	snop  }
0x25: {  	[tilespmem:s20], [sflag:$0x1] =	stream.indirect.gather [hbm4b:s3+s13], $0x1, s19, s13, $0xb8;
	[tilespmem:$0xA10] =	vst v63  }
0x26: {  	_ = 	snop  }
0x27: {  	[tilespmem:s22], [sflag:$0x1] =	stream.indirect.gather [hbm4b:s4+s13], $0x1, s21, s13, $0xb8;
	[tilespmem:$0xA10] =	vst v63  }
0x28: {  	_ = 	snop  }
0x29: {  	[tilespmem:s24], [sflag:$0x1] =	stream.indirect.gather [hbm4b:s3+s13], $0x1, s23, s13, $0xb8;
	[tilespmem:$0xA10] =	vst v63  }
0x2a: {  	_ = 	snop  }
0x2b: {  	[tilespmem:s26], [sflag:$0x1] =	stream.indirect.gather [hbm4b:s4+s13], $0x1, s25, s13, $0xb8;
	[tilespmem:$0xA10] =	vst v63  }
0x2c: {  	_ =	swait.ge [sflag:s28], $0x80  }
0x2d: {  	[sflag:s28] =	ssyncset.done $0x0  }
0x2e: {  	[sflag:s28] =	ssyncadd.s32 $0xFFFFFF80  }
0x2f: {  	_ =	swait.ge [sflag:s28], $0x80  }
0x30: {  	[sflag:s28] =	ssyncset.done $0x0  }
0x31: {  	[sflag:s28] =	ssyncadd.s32 $0xFFFFFF80  }
0x32: {  	_ =	swait.ge [sflag:s28], $0x80  }
0x33: {  	[sflag:s28] =	ssyncset.done $0x0  }
0x34: {  	[sflag:s28] =	ssyncadd.s32 $0xFFFFFF80  }
0x35: {  	_ =	swait.ge [sflag:s28], $0x80  }
0x36: {  	[sflag:s28] =	ssyncset.done $0x0  }
0x37: {  	[sflag:s28] =	ssyncadd.s32 $0xFFFFFF80  }
0x38: {  	_ =	swait.ge [sflag:s28], $0x80  }
0x39: {  	[sflag:s28] =	ssyncset.done $0x0  }
0x3a: {  	[sflag:s28] =	ssyncadd.s32 $0xFFFFFF80  }
0x3b: {  	_ =	swait.ge [sflag:s28], $0x80  }
0x3c: {  	[sflag:s28] =	ssyncset.done $0x0  }
0x3d: {  	[sflag:s28] =	ssyncadd.s32 $0xFFFFFF80  }
0x3e: {  	_ =	swait.ge [sflag:s28], $0x80  }
0x3f: {  	[sflag:s28] =	ssyncset.done $0x0  }
0x40: {  	[sflag:s28] =	ssyncadd.s32 $0xFFFFFF80  }
0x41: {  	_ =	swait.ge [sflag:s28], $0x80  }
0x42: {  	[sflag:s28] =	ssyncset.done $0x0  }
0x43: {  	[sflag:s28] =	ssyncadd.s32 $0xFFFFFF80  }
0x44: {  	v1 =	vld [tilespmem:$0x400]  }
0x45: {  	v2 =	vld [tilespmem:$0x600];
	_ =	sdelay $0x1  }
0x46: {  	v0 =	vld [tilespmem:$0x800];
	_ =	sdelay $0x2  }
0x47: {  	v1 =	vadd.f32 v2, v1;
	_ =	sdelay $0x1  }
0x48: {  	v1 =	vadd.f32 v1, v0;
	_ =	sdelay $0x1  }
0x49: {  	v1 =	vsub.f32 $0.0e+00, v1;
	_ =	sdelay $0x1  }
0x4a: {  	v1 =	vmul.f32 $1.442695020e+00, v1  }
0x4b: {  	v18 =	vld [tilespmem:$0x410]  }
0x4c: {  	v19 =	vld [tilespmem:$0x610];
	(erf) = vpow2.f32 v1;
	_ =	sdelay $0x4  }
0x4d: {  	v1 =	vadd.f32 v19, v18;
	_ =	sdelay $0x1  }
0x4e: {  	v1 =	vadd.f32 v1, v0;
	_ =	sdelay $0x1  }
0x4f: {  	v1 =	vsub.f32 $0.0e+00, v1;
	v20 =	vpop (erf)  }
0x50: {  	v2 =	vadd.f32 $1.000000000e+00, v20  }
0x51: {  	v21 =	vld [tilespmem:$0x420];
	v1 =	vmul.f32 $1.442695020e+00, v1  }
0x52: {  	v22 =	vld [tilespmem:$0x620];
	(erf) = vrcp.f32 v2  }
0x53: {  	(erf) = vpow2.f32 v1;
	_ =	sdelay $0x3  }
0x54: {  	v1 =	vadd.f32 v22, v21;
	_ =	sdelay $0x2  }
0x55: {  	v2 =	vadd.f32 v1, v0  }
0x56: {  	v1 =	vpop (erf)  }
0x57: {  	v2 =	vsub.f32 $0.0e+00, v2;
	v3 =	vpop (erf)  }
0x58: {  	v3 =	vadd.f32 $1.000000000e+00, v3  }
0x59: {  	v23 =	vld [tilespmem:$0x430];
	v2 =	vmul.f32 $1.442695020e+00, v2  }
0x5a: {  	v24 =	vld [tilespmem:$0x630];
	(erf) = vrcp.f32 v3  }
0x5b: {  	(erf) = vpow2.f32 v2;
	_ =	sdelay $0x3  }
0x5c: {  	v2 =	vadd.f32 v24, v23;
	_ =	sdelay $0x2  }
0x5d: {  	v3 =	vadd.f32 v2, v0  }
0x5e: {  	v2 =	vpop (erf)  }
0x5f: {  	v3 =	vsub.f32 $0.0e+00, v3;
	v4 =	vpop (erf)  }
0x60: {  	v4 =	vadd.f32 $1.000000000e+00, v4  }
0x61: {  	v25 =	vld [tilespmem:$0x440];
	v3 =	vmul.f32 $1.442695020e+00, v3  }
0x62: {  	v26 =	vld [tilespmem:$0x640];
	(erf) = vrcp.f32 v4  }
0x63: {  	(erf) = vpow2.f32 v3;
	_ =	sdelay $0x3  }
0x64: {  	v3 =	vadd.f32 v26, v25;
	_ =	sdelay $0x2  }
0x65: {  	v4 =	vadd.f32 v3, v0  }
0x66: {  	v3 =	vpop (erf)  }
0x67: {  	v4 =	vsub.f32 $0.0e+00, v4;
	v5 =	vpop (erf)  }
0x68: {  	v5 =	vadd.f32 $1.000000000e+00, v5  }
0x69: {  	v27 =	vld [tilespmem:$0x450];
	v4 =	vmul.f32 $1.442695020e+00, v4  }
0x6a: {  	v28 =	vld [tilespmem:$0x650];
	(erf) = vrcp.f32 v5  }
0x6b: {  	(erf) = vpow2.f32 v4;
	_ =	sdelay $0x3  }
0x6c: {  	v4 =	vadd.f32 v28, v27;
	_ =	sdelay $0x2  }
0x6d: {  	v5 =	vadd.f32 v4, v0  }
0x6e: {  	v4 =	vpop (erf)  }
0x6f: {  	v5 =	vsub.f32 $0.0e+00, v5;
	v6 =	vpop (erf)  }
0x70: {  	v6 =	vadd.f32 $1.000000000e+00, v6  }
0x71: {  	v29 =	vld [tilespmem:$0x460];
	v5 =	vmul.f32 $1.442695020e+00, v5  }
0x72: {  	v30 =	vld [tilespmem:$0x660];
	(erf) = vrcp.f32 v6  }
0x73: {  	(erf) = vpow2.f32 v5;
	_ =	sdelay $0x3  }
0x74: {  	v5 =	vadd.f32 v30, v29;
	_ =	sdelay $0x2  }
0x75: {  	v6 =	vadd.f32 v5, v0  }
0x76: {  	v5 =	vpop (erf)  }
0x77: {  	v6 =	vsub.f32 $0.0e+00, v6;
	v7 =	vpop (erf)  }
0x78: {  	v7 =	vadd.f32 $1.000000000e+00, v7  }
0x79: {  	v31 =	vld [tilespmem:$0x470];
	v6 =	vmul.f32 $1.442695020e+00, v6  }
0x7a: {  	v32 =	vld [tilespmem:$0x670];
	(erf) = vrcp.f32 v7  }
0x7b: {  	(erf) = vpow2.f32 v6;
	_ =	sdelay $0x3  }
0x7c: {  	v6 =	vadd.f32 v32, v31;
	_ =	sdelay $0x2  }
0x7d: {  	v7 =	vadd.f32 v6, v0  }
0x7e: {  	v6 =	vpop (erf)  }
0x7f: {  	v7 =	vsub.f32 $0.0e+00, v7;
	v8 =	vpop (erf)  }
0x80: {  	v8 =	vadd.f32 $1.000000000e+00, v8  }
0x81: {  	v33 =	vld [tilespmem:$0x480];
	v7 =	vmul.f32 $1.442695020e+00, v7  }
0x82: {  	v34 =	vld [tilespmem:$0x680];
	(erf) = vrcp.f32 v8  }
0x83: {  	(erf) = vpow2.f32 v7;
	_ =	sdelay $0x3  }
0x84: {  	v7 =	vadd.f32 v34, v33;
	_ =	sdelay $0x2  }
0x85: {  	v8 =	vadd.f32 v7, v0  }
0x86: {  	v7 =	vpop (erf)  }
0x87: {  	v8 =	vsub.f32 $0.0e+00, v8;
	v9 =	vpop (erf)  }
0x88: {  	v9 =	vadd.f32 $1.000000000e+00, v9  }
0x89: {  	v35 =	vld [tilespmem:$0x490];
	v8 =	vmul.f32 $1.442695020e+00, v8  }
0x8a: {  	v36 =	vld [tilespmem:$0x690];
	(erf) = vrcp.f32 v9  }
0x8b: {  	(erf) = vpow2.f32 v8;
	_ =	sdelay $0x3  }
0x8c: {  	v8 =	vadd.f32 v36, v35;
	_ =	sdelay $0x2  }
0x8d: {  	v9 =	vadd.f32 v8, v0  }
0x8e: {  	v8 =	vpop (erf)  }
0x8f: {  	v9 =	vsub.f32 $0.0e+00, v9;
	v10 =	vpop (erf)  }
0x90: {  	v10 =	vadd.f32 $1.000000000e+00, v10  }
0x91: {  	v37 =	vld [tilespmem:$0x4A0];
	v9 =	vmul.f32 $1.442695020e+00, v9  }
0x92: {  	v38 =	vld [tilespmem:$0x6A0];
	(erf) = vrcp.f32 v10  }
0x93: {  	(erf) = vpow2.f32 v9;
	_ =	sdelay $0x3  }
0x94: {  	v9 =	vadd.f32 v38, v37;
	_ =	sdelay $0x2  }
0x95: {  	v10 =	vadd.f32 v9, v0  }
0x96: {  	v9 =	vpop (erf)  }
0x97: {  	v10 =	vsub.f32 $0.0e+00, v10;
	v11 =	vpop (erf)  }
0x98: {  	v11 =	vadd.f32 $1.000000000e+00, v11  }
0x99: {  	v39 =	vld [tilespmem:$0x4B0];
	v10 =	vmul.f32 $1.442695020e+00, v10  }
0x9a: {  	v40 =	vld [tilespmem:$0x6B0];
	(erf) = vrcp.f32 v11  }
0x9b: {  	(erf) = vpow2.f32 v10;
	_ =	sdelay $0x3  }
0x9c: {  	v10 =	vadd.f32 v40, v39;
	_ =	sdelay $0x2  }
0x9d: {  	v11 =	vadd.f32 v10, v0  }
0x9e: {  	v10 =	vpop (erf)  }
0x9f: {  	v11 =	vsub.f32 $0.0e+00, v11;
	v12 =	vpop (erf)  }
0xa0: {  	v12 =	vadd.f32 $1.000000000e+00, v12  }
0xa1: {  	v41 =	vld [tilespmem:$0x4C0];
	v11 =	vmul.f32 $1.442695020e+00, v11  }
0xa2: {  	v42 =	vld [tilespmem:$0x6C0];
	(erf) = vrcp.f32 v12  }
0xa3: {  	(erf) = vpow2.f32 v11;
	_ =	sdelay $0x3  }
0xa4: {  	v11 =	vadd.f32 v42, v41;
	_ =	sdelay $0x2  }
0xa5: {  	v12 =	vadd.f32 v11, v0  }
0xa6: {  	v11 =	vpop (erf)  }
0xa7: {  	v12 =	vsub.f32 $0.0e+00, v12;
	v13 =	vpop (erf)  }
0xa8: {  	v13 =	vadd.f32 $1.000000000e+00, v13  }
0xa9: {  	v43 =	vld [tilespmem:$0x4D0];
	v12 =	vmul.f32 $1.442695020e+00, v12  }
0xaa: {  	v44 =	vld [tilespmem:$0x6D0];
	(erf) = vrcp.f32 v13  }
0xab: {  	(erf) = vpow2.f32 v12;
	_ =	sdelay $0x3  }
0xac: {  	v12 =	vadd.f32 v44, v43;
	_ =	sdelay $0x2  }
0xad: {  	v13 =	vadd.f32 v12, v0  }
0xae: {  	v12 =	vpop (erf)  }
0xaf: {  	v13 =	vsub.f32 $0.0e+00, v13;
	v14 =	vpop (erf)  }
0xb0: {  	v14 =	vadd.f32 $1.000000000e+00, v14  }
0xb1: {  	v45 =	vld [tilespmem:$0x4E0];
	v13 =	vmul.f32 $1.442695020e+00, v13  }
0xb2: {  	v46 =	vld [tilespmem:$0x6E0];
	(erf) = vrcp.f32 v14  }
0xb3: {  	(erf) = vpow2.f32 v13;
	_ =	sdelay $0x3  }
0xb4: {  	v13 =	vadd.f32 v46, v45;
	_ =	sdelay $0x2  }
0xb5: {  	v14 =	vadd.f32 v13, v0  }
0xb6: {  	v13 =	vpop (erf)  }
0xb7: {  	v14 =	vsub.f32 $0.0e+00, v14;
	v15 =	vpop (erf)  }
0xb8: {  	v15 =	vadd.f32 $1.000000000e+00, v15  }
0xb9: {  	v47 =	vld [tilespmem:$0x4F0];
	v14 =	vmul.f32 $1.442695020e+00, v14  }
0xba: {  	v48 =	vld [tilespmem:$0x6F0];
	(erf) = vrcp.f32 v15  }
0xbb: {  	(erf) = vpow2.f32 v14;
	_ =	sdelay $0x3  }
0xbc: {  	v14 =	vadd.f32 v48, v47;
	_ =	sdelay $0x2  }
0xbd: {  	v15 =	vadd.f32 v14, v0  }
0xbe: {  	v14 =	vpop (erf)  }
0xbf: {  	v15 =	vsub.f32 $0.0e+00, v15;
	v16 =	vpop (erf)  }
0xc0: {  	v16 =	vadd.f32 $1.000000000e+00, v16  }
0xc1: {  	v49 =	vld [tilespmem:$0x500];
	v15 =	vmul.f32 $1.442695020e+00, v15  }
0xc2: {  	v50 =	vld [tilespmem:$0x700];
	(erf) = vrcp.f32 v16  }
0xc3: {  	(erf) = vpow2.f32 v15;
	_ =	sdelay $0x3  }
0xc4: {  	v15 =	vadd.f32 v50, v49;
	_ =	sdelay $0x2  }
0xc5: {  	v16 =	vadd.f32 v15, v0  }
0xc6: {  	v15 =	vpop (erf)  }
0xc7: {  	v16 =	vsub.f32 $0.0e+00, v16;
	v17 =	vpop (erf)  }
0xc8: {  	v17 =	vadd.f32 $1.000000000e+00, v17  }
0xc9: {  	v51 =	vld [tilespmem:$0x510];
	v16 =	vmul.f32 $1.442695020e+00, v16  }
0xca: {  	v52 =	vld [tilespmem:$0x710];
	(erf) = vrcp.f32 v17  }
0xcb: {  	(erf) = vpow2.f32 v16;
	_ =	sdelay $0x3  }
0xcc: {  	v16 =	vadd.f32 v52, v51;
	_ =	sdelay $0x2  }
0xcd: {  	v17 =	vadd.f32 v16, v0  }
0xce: {  	v16 =	vpop (erf)  }
0xcf: {  	v17 =	vsub.f32 $0.0e+00, v17;
	v18 =	vpop (erf)  }
0xd0: {  	v18 =	vadd.f32 $1.000000000e+00, v18  }
0xd1: {  	v53 =	vld [tilespmem:$0x520];
	v17 =	vmul.f32 $1.442695020e+00, v17  }
0xd2: {  	v54 =	vld [tilespmem:$0x720];
	(erf) = vrcp.f32 v18  }
0xd3: {  	(erf) = vpow2.f32 v17;
	_ =	sdelay $0x3  }
0xd4: {  	v17 =	vadd.f32 v54, v53;
	_ =	sdelay $0x2  }
0xd5: {  	v18 =	vadd.f32 v17, v0  }
0xd6: {  	v17 =	vpop (erf)  }
0xd7: {  	v18 =	vsub.f32 $0.0e+00, v18;
	v19 =	vpop (erf)  }
0xd8: {  	v19 =	vadd.f32 $1.000000000e+00, v19  }
0xd9: {  	v55 =	vld [tilespmem:$0x530];
	v18 =	vmul.f32 $1.442695020e+00, v18  }
0xda: {  	v56 =	vld [tilespmem:$0x730];
	(erf) = vrcp.f32 v19  }
0xdb: {  	(erf) = vpow2.f32 v18;
	_ =	sdelay $0x3  }
0xdc: {  	v18 =	vadd.f32 v56, v55;
	_ =	sdelay $0x2  }
0xdd: {  	v19 =	vadd.f32 v18, v0  }
0xde: {  	v18 =	vpop (erf)  }
0xdf: {  	v19 =	vsub.f32 $0.0e+00, v19;
	v20 =	vpop (erf)  }
0xe0: {  	v20 =	vadd.f32 $1.000000000e+00, v20  }
0xe1: {  	v57 =	vld [tilespmem:$0x540];
	v19 =	vmul.f32 $1.442695020e+00, v19  }
0xe2: {  	v58 =	vld [tilespmem:$0x740];
	(erf) = vrcp.f32 v20  }
0xe3: {  	(erf) = vpow2.f32 v19;
	_ =	sdelay $0x3  }
0xe4: {  	v19 =	vadd.f32 v58, v57;
	_ =	sdelay $0x2  }
0xe5: {  	v20 =	vadd.f32 v19, v0  }
0xe6: {  	v19 =	vpop (erf)  }
0xe7: {  	v20 =	vsub.f32 $0.0e+00, v20;
	v21 =	vpop (erf)  }
0xe8: {  	v21 =	vadd.f32 $1.000000000e+00, v21  }
0xe9: {  	v59 =	vld [tilespmem:$0x550];
	v20 =	vmul.f32 $1.442695020e+00, v20  }
0xea: {  	v60 =	vld [tilespmem:$0x750];
	(erf) = vrcp.f32 v21  }
0xeb: {  	(erf) = vpow2.f32 v20;
	_ =	sdelay $0x3  }
0xec: {  	v20 =	vadd.f32 v60, v59;
	_ =	sdelay $0x2  }
0xed: {  	v21 =	vadd.f32 v20, v0  }
0xee: {  	v20 =	vpop (erf)  }
0xef: {  	v21 =	vsub.f32 $0.0e+00, v21;
	v22 =	vpop (erf)  }
0xf0: {  	v22 =	vadd.f32 $1.000000000e+00, v22  }
0xf1: {  	v21 =	vmul.f32 $1.442695020e+00, v21  }
0xf2: {  	v61 =	vld [tilespmem:$0x560];
	(erf) = vrcp.f32 v22  }
0xf3: {  	v62 =	vld [tilespmem:$0x760];
	(erf) = vpow2.f32 v21;
	_ =	sdelay $0x4  }
0xf4: {  	v21 =	vadd.f32 v62, v61;
	_ =	sdelay $0x1  }
0xf5: {  	v22 =	vadd.f32 v21, v0  }
0xf6: {  	v63 =	vpop (erf)  }
0xf7: {  	v22 =	vsub.f32 $0.0e+00, v22;
	v23 =	vpop (erf)  }
0xf8: {  	v23 =	vadd.f32 $1.000000000e+00, v23  }
0xf9: {  	v22 =	vmul.f32 $1.442695020e+00, v22  }
0xfa: {  	v32 =	vld [tilespmem:$0x570];
	(erf) = vrcp.f32 v23  }
0xfb: {  	v33 =	vld [tilespmem:$0x770];
	(erf) = vpow2.f32 v22;
	_ =	sdelay $0x4  }
0xfc: {  	v22 =	vadd.f32 v33, v32;
	_ =	sdelay $0x1  }
0xfd: {  	v22 =	vadd.f32 v22, v0  }
0xfe: {  	v34 =	vpop (erf)  }
0xff: {  	v22 =	vsub.f32 $0.0e+00, v22;
	v24 =	vpop (erf)  }
0x100: {  	v24 =	vadd.f32 $1.000000000e+00, v24  }
0x101: {  	v22 =	vmul.f32 $1.442695020e+00, v22  }
0x102: {  	v35 =	vld [tilespmem:$0x580];
	(erf) = vrcp.f32 v24  }
0x103: {  	v36 =	vld [tilespmem:$0x780];
	(erf) = vpow2.f32 v22;
	_ =	sdelay $0x4  }
0x104: {  	v22 =	vadd.f32 v36, v35;
	_ =	sdelay $0x1  }
0x105: {  	v22 =	vadd.f32 v22, v0  }
0x106: {  	v37 =	vpop (erf)  }
0x107: {  	v22 =	vsub.f32 $0.0e+00, v22;
	v25 =	vpop (erf)  }
0x108: {  	v25 =	vadd.f32 $1.000000000e+00, v25  }
0x109: {  	v22 =	vmul.f32 $1.442695020e+00, v22  }
0x10a: {  	v38 =	vld [tilespmem:$0x590];
	(erf) = vrcp.f32 v25  }
0x10b: {  	v39 =	vld [tilespmem:$0x790];
	(erf) = vpow2.f32 v22;
	_ =	sdelay $0x4  }
0x10c: {  	v22 =	vadd.f32 v39, v38;
	_ =	sdelay $0x1  }
0x10d: {  	v22 =	vadd.f32 v22, v0  }
0x10e: {  	v40 =	vpop (erf)  }
0x10f: {  	v22 =	vsub.f32 $0.0e+00, v22;
	v26 =	vpop (erf)  }
0x110: {  	v26 =	vadd.f32 $1.000000000e+00, v26  }
0x111: {  	v22 =	vmul.f32 $1.442695020e+00, v22  }
0x112: {  	v41 =	vld [tilespmem:$0x5A0];
	(erf) = vrcp.f32 v26  }
0x113: {  	v42 =	vld [tilespmem:$0x7A0];
	(erf) = vpow2.f32 v22;
	_ =	sdelay $0x4  }
0x114: {  	v22 =	vadd.f32 v42, v41;
	_ =	sdelay $0x1  }
0x115: {  	v22 =	vadd.f32 v22, v0  }
0x116: {  	v43 =	vpop (erf)  }
0x117: {  	v22 =	vsub.f32 $0.0e+00, v22;
	v27 =	vpop (erf)  }
0x118: {  	v27 =	vadd.f32 $1.000000000e+00, v27  }
0x119: {  	v22 =	vmul.f32 $1.442695020e+00, v22  }
0x11a: {  	v44 =	vld [tilespmem:$0x5B0];
	(erf) = vrcp.f32 v27  }
0x11b: {  	v45 =	vld [tilespmem:$0x7B0];
	(erf) = vpow2.f32 v22;
	_ =	sdelay $0x4  }
0x11c: {  	v22 =	vadd.f32 v45, v44;
	_ =	sdelay $0x1  }
0x11d: {  	v22 =	vadd.f32 v22, v0  }
0x11e: {  	v46 =	vpop (erf)  }
0x11f: {  	v22 =	vsub.f32 $0.0e+00, v22;
	v28 =	vpop (erf)  }
0x120: {  	v28 =	vadd.f32 $1.000000000e+00, v28  }
0x121: {  	v22 =	vmul.f32 $1.442695020e+00, v22  }
0x122: {  	v47 =	vld [tilespmem:$0x5C0];
	(erf) = vrcp.f32 v28  }
0x123: {  	v48 =	vld [tilespmem:$0x7C0];
	(erf) = vpow2.f32 v22;
	_ =	sdelay $0x4  }
0x124: {  	v22 =	vadd.f32 v48, v47;
	_ =	sdelay $0x1  }
0x125: {  	v22 =	vadd.f32 v22, v0  }
0x126: {  	v49 =	vpop (erf)  }
0x127: {  	v22 =	vsub.f32 $0.0e+00, v22;
	v29 =	vpop (erf)  }
0x128: {  	v29 =	vadd.f32 $1.000000000e+00, v29  }
0x129: {  	v22 =	vmul.f32 $1.442695020e+00, v22  }
0x12a: {  	v50 =	vld [tilespmem:$0x5D0];
	(erf) = vrcp.f32 v29  }
0x12b: {  	v51 =	vld [tilespmem:$0x7D0];
	(erf) = vpow2.f32 v22;
	_ =	sdelay $0x4  }
0x12c: {  	v22 =	vadd.f32 v51, v50;
	_ =	sdelay $0x1  }
0x12d: {  	v22 =	vadd.f32 v22, v0  }
0x12e: {  	v52 =	vpop (erf)  }
0x12f: {  	v22 =	vsub.f32 $0.0e+00, v22;
	v30 =	vpop (erf)  }
0x130: {  	v30 =	vadd.f32 $1.000000000e+00, v30  }
0x131: {  	v22 =	vmul.f32 $1.442695020e+00, v22  }
0x132: {  	v53 =	vld [tilespmem:$0x5E0];
	(erf) = vrcp.f32 v30  }
0x133: {  	v54 =	vld [tilespmem:$0x7E0];
	(erf) = vpow2.f32 v22;
	_ =	sdelay $0x4  }
0x134: {  	v22 =	vadd.f32 v54, v53;
	_ =	sdelay $0x1  }
0x135: {  	v22 =	vadd.f32 v22, v0  }
0x136: {  	v55 =	vpop (erf)  }
0x137: {  	v22 =	vsub.f32 $0.0e+00, v22;
	v31 =	vpop (erf)  }
0x138: {  	v31 =	vadd.f32 $1.000000000e+00, v31  }
0x139: {  	v22 =	vmul.f32 $1.442695020e+00, v22  }
0x13a: {  	v56 =	vld [tilespmem:$0x5F0];
	(erf) = vrcp.f32 v31  }
0x13b: {  	v57 =	vld [tilespmem:$0x7F0];
	(erf) = vpow2.f32 v22;
	_ =	sdelay $0x3  }
0x13c: {  	[tilespmem:$0x810] =	vst v1  }
0x13d: {  	[tilespmem:$0x820] =	vst v2;
	v58 =	vadd.f32 v57, v56  }
0x13e: {  	[tilespmem:$0x830] =	vst v3  }
0x13f: {  	[tilespmem:$0x840] =	vst v4;
	v0 =	vadd.f32 v58, v0  }
0x140: {  	[tilespmem:$0x850] =	vst v5;
	v59 =	vpop (erf)  }
0x141: {  	[tilespmem:$0x860] =	vst v6;
	v0 =	vsub.f32 $0.0e+00, v0;
	v60 =	vpop (erf)  }
0x142: {  	[tilespmem:$0x870] =	vst v7;
	v2 =	vadd.f32 $1.000000000e+00, v60  }
0x143: {  	[tilespmem:$0x880] =	vst v8;
	v0 =	vmul.f32 $1.442695020e+00, v0  }
0x144: {  	[tilespmem:$0x890] =	vst v9;
	(erf) = vrcp.f32 v2  }
0x145: {  	[tilespmem:$0x8A0] =	vst v10;
	(erf) = vpow2.f32 v0  }
0x146: {  	[tilespmem:$0x8B0] =	vst v11  }
0x147: {  	[tilespmem:$0x8C0] =	vst v12  }
0x148: {  	[tilespmem:$0x8D0] =	vst v13  }
0x149: {  	[tilespmem:$0x8E0] =	vst v14  }
0x14a: {  	[tilespmem:$0x8F0] =	vst v15  }
0x14b: {  	[tilespmem:$0x900] =	vst v16  }
0x14c: {  	[tilespmem:$0x910] =	vst v17  }
0x14d: {  	[tilespmem:$0x920] =	vst v18;
	v61 =	vpop (erf)  }
0x14e: {  	[tilespmem:$0x930] =	vst v19;
	v62 =	vpop (erf)  }
0x14f: {  	[tilespmem:$0x940] =	vst v20;
	v2 =	vadd.f32 $1.000000000e+00, v62  }
0x150: {  	[tilespmem:$0x950] =	vst v63  }
0x151: {  	[tilespmem:$0x960] =	vst v34;
	(erf) = vrcp.f32 v2  }
0x152: {  	[tilespmem:$0x970] =	vst v37  }
0x153: {  	[tilespmem:$0x980] =	vst v40  }
0x154: {  	[tilespmem:$0x990] =	vst v43  }
0x155: {  	[tilespmem:$0x9A0] =	vst v46  }
0x156: {  	[tilespmem:$0x9B0] =	vst v49  }
0x157: {  	[tilespmem:$0x9C0] =	vst v52  }
0x158: {  	[tilespmem:$0x9D0] =	vst v55  }
0x159: {  	[tilespmem:$0x9E0] =	vst v59  }
0x15a: {  	p0 =	sne.s32 s9, $0x1;
	[tilespmem:$0x9F0] =	vst v61;
	v63 =	vpop (erf)  }
.Ltmp0:
0x15b: {  	[tilespmem:$0xA00] =	vst v63;
	(pc) =	sbr.rel @p0 .LBB2_1-.Ltmp0, $4  }
0x15c: {  	[hbm4b:s8+s2] =	stream.linear.scatter [tilespmem:s29], [sflag:$0x2], $0x200, $0x38;
	[tilespmem:$0xA10] =	vst v63  }
0x15d: {  	_ =	swait.ge [sflag:s10], $0x200  }
0x15e: {  	[sflag:s10] =	ssyncset.done $0x0  }
0x15f: {  	s9 =	sadd.s32 $0xFFFFFFFF, s9;
	[sflag:s10] =	ssyncadd.s32 $0xFFFFFE00  }
0x160: {  	_ =	sfence.sel $0x180000  }
0x161: {  	[bflag:$0x0] =	sbarrier.arrive $0xFFFF  }
0x162: {  	p0 =	sne.s32 s1, $0x0;
	_ =	strace $0x90000047  }
0x163: {  	s0 =	sadd.s32 @!p0 $0x100000, s0;
	[bflag:$0x2] =	sbarrier.arrive $0xFFFF  }
0x164: {  	[sflag:s0] =	ssyncadd.tile.s32 @!p0 $0x1;
	_ =	shalt  }
.Lfunc_end2:
_tile_overlayer_lowered:
.L_overlay_start_2:
0x165: {  	(tag) =	ssettag $0x2  }
0x166: {  	s0 =	rddreg [dreg:$0x0];
	s2 =	stileid.u32  }
0x167: {  	s1 =	rddreg [dreg:$0x1];
	p0 =	sne.s32 s2, $0x0  }
0x168: {  	s3 =	rddreg [dreg:$0x2];
	[bflag:$0x3] =	sbarrier.arrive $0xFFFF;
	s2 =	simm.s32 @!p0 $0x1C02  }
0x169: {  	[timem:s3], [sflag:s2] =	dma.local @!p0 [hbm:s0], s1  }
0x16a: {  	s0 =	simm.s32 @!p0 $0x2  }
0x16b: {  	_ =	swait.ge @!p0 [sflag:s0], s1  }
0x16c: {  	s1 =	ssub.s32 @!p0 $0x0, s1;
	[sflag:s0] =	ssyncset.done @!p0 $0x0  }
0x16d: {  	[sflag:s0] =	ssyncadd.s32 @!p0 s1  }
0x16e: {  	[bflag:$0x3] =	sbarrier.arrive $0xFFFF  }
0x16f: {  	_ =	shalt  }

</sc_bundles>
